<compile_context>
chip_gen: v7x
topology: tpu7x:2x2x1
jax: 0.10.2.dev20260603
libtpu: 0.0.44.dev20260713+nightly
codegen_flags: <defaults>
</compile_context>

<pallas_src>
import functools

import jax
import jax.numpy as jnp
from jax import lax
from jax.experimental import pallas as pl
from jax.experimental.pallas import tpu as pltpu
from jax.experimental.pallas import tpu_sc as plsc

_LANES = 16
_SLAB = 128


def kernel(input, table):
    B, L = input.shape
    V = table.shape[0]
    xt = input.T
    info = plsc.get_sparse_core_info()
    nw = info.num_cores * info.num_subcores
    half = (L // 2) // 8 * 8
    rest = L - half
    assert nw * _SLAB == B and half % 8 == 0 and rest % 8 == 0

    mesh = plsc.VectorSubcoreMesh(core_axis_name="c", subcore_axis_name="s")

    @functools.partial(
        pl.kernel,
        mesh=mesh,
        compiler_params=pltpu.CompilerParams(needs_layout_passes=False),
        out_type=jax.ShapeDtypeStruct((L, B), jnp.float32),
        scratch_types=[
            pltpu.VMEM((L, _SLAB), jnp.int32),
            pltpu.VMEM((L, _SLAB), jnp.float32),
            pltpu.VMEM((V,), jnp.float32),
            pltpu.SemaphoreType.DMA,
            pltpu.SemaphoreType.DMA,
            pltpu.SemaphoreType.DMA,
            pltpu.SemaphoreType.DMA,
        ],
    )
    def lookup(idx_hbm, tab_hbm, out_hbm, idx_v, out_v, tab_v, sia, sib, soa, sob):
        wid = lax.axis_index("s") * info.num_cores + lax.axis_index("c")
        c0 = wid * _SLAB
        ina = pltpu.async_copy(
            idx_hbm.at[pl.ds(0, half), pl.ds(c0, _SLAB)],
            idx_v.at[pl.ds(0, half)], sia)
        inb = pltpu.async_copy(
            idx_hbm.at[pl.ds(half, rest), pl.ds(c0, _SLAB)],
            idx_v.at[pl.ds(half, rest)], sib)
        pltpu.sync_copy(tab_hbm, tab_v)

        def gather_half(r0, n):
            @plsc.parallel_loop(r0, r0 + n, step=1, unroll=2)
            def body(r):
                for k in range(_SLAB // _LANES):
                    iv = idx_v[r, pl.ds(k * _LANES, _LANES)]
                    out_v[r, pl.ds(k * _LANES, _LANES)] = plsc.load_gather(
                        tab_v, [iv])

        ina.wait()
        gather_half(0, half)
        outa = pltpu.async_copy(
            out_v.at[pl.ds(0, half)],
            out_hbm.at[pl.ds(0, half), pl.ds(c0, _SLAB)], soa)
        inb.wait()
        gather_half(half, rest)
        outb = pltpu.async_copy(
            out_v.at[pl.ds(half, rest)],
            out_hbm.at[pl.ds(half, rest), pl.ds(c0, _SLAB)], sob)
        outa.wait()
        outb.wait()

    return lookup(xt, table.reshape(V)).T

# --- scband reference (transcript-rebuilt; emitter-appended) ---
"""Pipeline reference for scband-digital2-analog-1597727834327 (READ-ONLY COPY).

The authoritative reference and input builder live on the scoring server;
editing this copy changes nothing except your own understanding.
"""

import jax, jax.numpy as jnp
import numpy as np

NUM_CH = 256

def setup_inputs(seed: int = 0) -> dict:
    key = jax.random.key(seed)
    indices = jax.random.randint(key, (4096, 200), 0, NUM_CH)
    # table initialized exactly like the torch module: arange(-1, 1, step=1/(num_ch/2)), shape [num_ch, 1]
    analog_values = jnp.arange(-1.0, 1.0, 1.0 / (NUM_CH / 2), dtype=jnp.float32)
    table = analog_values.reshape(NUM_CH, 1)
    return {"input": indices, "table": table}

def reference(input, table):
    # nn.Embedding lookup -> gather along rows, then squeeze last dim
    emb = jnp.take(table, input, axis=0)  # [B, L, 1]
    return emb.squeeze(-1)  # [B, L]

if __name__ == "__main__":
    import jax
    _d = setup_inputs()
    print(jax.jit(kernel)(*tuple(_d.values())))

</pallas_src>

<mosaic_0001>
#map = affine_map<(d0, d1) -> (0, 0)>
#map1 = affine_map<(d0, d1) -> (0)>
module attributes {stable_mosaic.version = 14 : i64} {
  func.func @lookup(%arg0: i32, %arg1: i32, %arg2: memref<200x4096xi32, #tpu.memory_space<hbm>>, %arg3: memref<256xf32, #tpu.memory_space<hbm>>, %arg4: memref<200x4096xf32, #tpu.memory_space<hbm>>, %arg5: memref<200x128xi32, #tpu.memory_space<vmem>>, %arg6: memref<200x128xf32, #tpu.memory_space<vmem>>, %arg7: memref<256xf32, #tpu.memory_space<vmem>>, %arg8: memref<!tpu.dma_semaphore, #tpu.memory_space<semaphore_mem>>, %arg9: memref<!tpu.dma_semaphore, #tpu.memory_space<semaphore_mem>>, %arg10: memref<!tpu.dma_semaphore, #tpu.memory_space<semaphore_mem>>, %arg11: memref<!tpu.dma_semaphore, #tpu.memory_space<semaphore_mem>>) attributes {dimension_semantics = [#tpu.dimension_semantics<core_parallel>, #tpu.dimension_semantics<subcore_parallel>], iteration_bounds = array<i64: 2, 16>, scalar_prefetch = 0 : i64, scratch_operands = 7 : i64, tpu.core_type = #tpu.core_type<sc_vector_subcore>, window_params = [{transform_indices = #map}, {transform_indices = #map1}, {transform_indices = #map}]} {
    %mul3A = arith.constant 2 : i32
    %mul3A_0 = arith.muli %arg1, %mul3A : i32
    %add3A = arith.addi %mul3A_0, %arg0 : i32
    %mul3A_1 = arith.constant 128 : i32
    %mul3A_2 = arith.muli %add3A, %mul3A_1 : i32
    %dma_start3A = arith.constant 0 : i32
    %dma_start3A_3 = arith.constant 0 : i32
    %dma_start3A_4 = tpu.memref_slice %arg5[%dma_start3A, %dma_start3A_3] : memref<200x128xi32, #tpu.memory_space<vmem>> -> memref<96x128xi32, #tpu.memory_space<vmem>>
    %dma_start3A_5 = arith.constant 0 : i32
    %dma_start3A_6 = tpu.memref_slice %arg2[%dma_start3A_5, %mul3A_2] : memref<200x4096xi32, #tpu.memory_space<hbm>> -> memref<96x128xi32, #tpu.memory_space<hbm>>
    %dma_start3A_7 = arith.constant 0 : i32
    %dma_start3A_8 = arith.constant 0 : i32
    %dma_start3A_9 = tpu.memref_slice %arg5[%dma_start3A_7, %dma_start3A_8] : memref<200x128xi32, #tpu.memory_space<vmem>> -> memref<96x128xi32, #tpu.memory_space<vmem>>
    %dma_start3A_10 = arith.constant 0 : i32
    %dma_start3A_11 = tpu.memref_slice %arg2[%dma_start3A_10, %mul3A_2] : memref<200x4096xi32, #tpu.memory_space<hbm>> -> memref<96x128xi32, #tpu.memory_space<hbm>>
    tpu.enqueue_dma source(%dma_start3A_11 : memref<96x128xi32, #tpu.memory_space<hbm>>) target(%dma_start3A_9 : memref<96x128xi32, #tpu.memory_space<vmem>>) target_semaphore(%arg8 : memref<!tpu.dma_semaphore, #tpu.memory_space<semaphore_mem>>)
    %dma_start3A_12 = arith.constant 96 : i32
    %dma_start3A_13 = arith.constant 0 : i32
    %dma_start3A_14 = tpu.memref_slice %arg5[%dma_start3A_12, %dma_start3A_13] : memref<200x128xi32, #tpu.memory_space<vmem>> -> memref<104x128xi32, #tpu.memory_space<vmem>>
    %dma_start3A_15 = arith.constant 96 : i32
    %dma_start3A_16 = tpu.memref_slice %arg2[%dma_start3A_15, %mul3A_2] : memref<200x4096xi32, #tpu.memory_space<hbm>> -> memref<104x128xi32, #tpu.memory_space<hbm>>
    %dma_start3A_17 = arith.constant 96 : i32
    %dma_start3A_18 = arith.constant 0 : i32
    %dma_start3A_19 = tpu.memref_slice %arg5[%dma_start3A_17, %dma_start3A_18] : memref<200x128xi32, #tpu.memory_space<vmem>> -> memref<104x128xi32, #tpu.memory_space<vmem>>
    %dma_start3A_20 = arith.constant 96 : i32
    %dma_start3A_21 = tpu.memref_slice %arg2[%dma_start3A_20, %mul3A_2] : memref<200x4096xi32, #tpu.memory_space<hbm>> -> memref<104x128xi32, #tpu.memory_space<hbm>>
    tpu.enqueue_dma source(%dma_start3A_21 : memref<104x128xi32, #tpu.memory_space<hbm>>) target(%dma_start3A_19 : memref<104x128xi32, #tpu.memory_space<vmem>>) target_semaphore(%arg9 : memref<!tpu.dma_semaphore, #tpu.memory_space<semaphore_mem>>)
    "tpu.region"() ({
      %run_scoped3A = tpu.sem_alloc : memref<!tpu.dma_semaphore, #tpu.memory_space<semaphore_mem>>
      tpu.enqueue_dma source(%arg3 : memref<256xf32, #tpu.memory_space<hbm>>) target(%arg7 : memref<256xf32, #tpu.memory_space<vmem>>) target_semaphore(%run_scoped3A : memref<!tpu.dma_semaphore, #tpu.memory_space<semaphore_mem>>)
      tpu.wait_dma2 semaphore(%run_scoped3A : memref<!tpu.dma_semaphore, #tpu.memory_space<semaphore_mem>>) src(%arg3 : memref<256xf32, #tpu.memory_space<hbm>>) dst(%arg7 : memref<256xf32, #tpu.memory_space<vmem>>)
      tpu.yield
    }) : () -> ()
    %dma_wait3A = arith.constant 0 : i32
    %dma_wait3A_22 = arith.constant 0 : i32
    %dma_wait3A_23 = tpu.memref_slice %arg5[%dma_wait3A, %dma_wait3A_22] : memref<200x128xi32, #tpu.memory_space<vmem>> -> memref<96x128xi32, #tpu.memory_space<vmem>>
    %dma_wait3A_24 = arith.constant 0 : i32
    %dma_wait3A_25 = tpu.memref_slice %arg2[%dma_wait3A_24, %mul3A_2] : memref<200x4096xi32, #tpu.memory_space<hbm>> -> memref<96x128xi32, #tpu.memory_space<hbm>>
    %dma_wait3A_26 = arith.constant 0 : i32
    %dma_wait3A_27 = arith.constant 0 : i32
    %dma_wait3A_28 = tpu.memref_slice %arg5[%dma_wait3A_26, %dma_wait3A_27] : memref<200x128xi32, #tpu.memory_space<vmem>> -> memref<96x128xi32, #tpu.memory_space<vmem>>
    %dma_wait3A_29 = arith.constant 0 : i32
    %dma_wait3A_30 = tpu.memref_slice %arg2[%dma_wait3A_29, %mul3A_2] : memref<200x4096xi32, #tpu.memory_space<hbm>> -> memref<96x128xi32, #tpu.memory_space<hbm>>
    tpu.wait_dma2 semaphore(%arg8 : memref<!tpu.dma_semaphore, #tpu.memory_space<semaphore_mem>>) src(%dma_wait3A_30 : memref<96x128xi32, #tpu.memory_space<hbm>>) dst(%dma_wait3A_28 : memref<96x128xi32, #tpu.memory_space<vmem>>)
    %parallel_loop3A = arith.constant 0 : i32
    %parallel_loop3A_31 = arith.constant 96 : i32
    %parallel_loop3A_32 = arith.constant 1 : i32
    scf.for %parallel_loop3A_86 = %parallel_loop3A to %parallel_loop3A_31 step %parallel_loop3A_32  : i32 {
      %parallel_loop3A_87 = arith.index_cast %parallel_loop3A_86 : i32 to index
      %parallel_loop3A_88 = arith.constant 0 : index
      %parallel_loop3A_89 = tpu.vector_load %arg5[%parallel_loop3A_87, %parallel_loop3A_88] {strides = array<i32>} : memref<200x128xi32, #tpu.memory_space<vmem>>, vector<16xi32>,
      %parallel_loop3A_90 = tpu.vector_load_idx %arg7[%parallel_loop3A_89] : memref<256xf32, #tpu.memory_space<vmem>>[vector<16xi32>], vector<16xf32>,
      %parallel_loop3A_91 = arith.index_cast %parallel_loop3A_86 : i32 to index
      %parallel_loop3A_92 = arith.constant 0 : index
      %parallel_loop3A_93 = tpu.vector_load %arg6[%parallel_loop3A_91, %parallel_loop3A_92] {strides = array<i32>} : memref<200x128xf32, #tpu.memory_space<vmem>>, vector<16xf32>,
      tpu.vector_store %arg6[%parallel_loop3A_91, %parallel_loop3A_92], %parallel_loop3A_90 {strides = array<i32>} : memref<200x128xf32, #tpu.memory_space<vmem>>, vector<16xf32>,
      %parallel_loop3A_94 = arith.index_cast %parallel_loop3A_86 : i32 to index
      %parallel_loop3A_95 = arith.constant 16 : index
      %parallel_loop3A_96 = tpu.vector_load %arg5[%parallel_loop3A_94, %parallel_loop3A_95] {strides = array<i32>} : memref<200x128xi32, #tpu.memory_space<vmem>>, vector<16xi32>,
      %parallel_loop3A_97 = tpu.vector_load_idx %arg7[%parallel_loop3A_96] : memref<256xf32, #tpu.memory_space<vmem>>[vector<16xi32>], vector<16xf32>,
      %parallel_loop3A_98 = arith.index_cast %parallel_loop3A_86 : i32 to index
      %parallel_loop3A_99 = arith.constant 16 : index
      %parallel_loop3A_100 = tpu.vector_load %arg6[%parallel_loop3A_98, %parallel_loop3A_99] {strides = array<i32>} : memref<200x128xf32, #tpu.memory_space<vmem>>, vector<16xf32>,
      tpu.vector_store %arg6[%parallel_loop3A_98, %parallel_loop3A_99], %parallel_loop3A_97 {strides = array<i32>} : memref<200x128xf32, #tpu.memory_space<vmem>>, vector<16xf32>,
      %parallel_loop3A_101 = arith.index_cast %parallel_loop3A_86 : i32 to index
      %parallel_loop3A_102 = arith.constant 32 : index
      %parallel_loop3A_103 = tpu.vector_load %arg5[%parallel_loop3A_101, %parallel_loop3A_102] {strides = array<i32>} : memref<200x128xi32, #tpu.memory_space<vmem>>, vector<16xi32>,
      %parallel_loop3A_104 = tpu.vector_load_idx %arg7[%parallel_loop3A_103] : memref<256xf32, #tpu.memory_space<vmem>>[vector<16xi32>], vector<16xf32>,
      %parallel_loop3A_105 = arith.index_cast %parallel_loop3A_86 : i32 to index
      %parallel_loop3A_106 = arith.constant 32 : index
      %parallel_loop3A_107 = tpu.vector_load %arg6[%parallel_loop3A_105, %parallel_loop3A_106] {strides = array<i32>} : memref<200x128xf32, #tpu.memory_space<vmem>>, vector<16xf32>,
      tpu.vector_store %arg6[%parallel_loop3A_105, %parallel_loop3A_106], %parallel_loop3A_104 {strides = array<i32>} : memref<200x128xf32, #tpu.memory_space<vmem>>, vector<16xf32>,
      %parallel_loop3A_108 = arith.index_cast %parallel_loop3A_86 : i32 to index
      %parallel_loop3A_109 = arith.constant 48 : index
      %parallel_loop3A_110 = tpu.vector_load %arg5[%parallel_loop3A_108, %parallel_loop3A_109] {strides = array<i32>} : memref<200x128xi32, #tpu.memory_space<vmem>>, vector<16xi32>,
      %parallel_loop3A_111 = tpu.vector_load_idx %arg7[%parallel_loop3A_110] : memref<256xf32, #tpu.memory_space<vmem>>[vector<16xi32>], vector<16xf32>,
      %parallel_loop3A_112 = arith.index_cast %parallel_loop3A_86 : i32 to index
      %parallel_loop3A_113 = arith.constant 48 : index
      %parallel_loop3A_114 = tpu.vector_load %arg6[%parallel_loop3A_112, %parallel_loop3A_113] {strides = array<i32>} : memref<200x128xf32, #tpu.memory_space<vmem>>, vector<16xf32>,
      tpu.vector_store %arg6[%parallel_loop3A_112, %parallel_loop3A_113], %parallel_loop3A_111 {strides = array<i32>} : memref<200x128xf32, #tpu.memory_space<vmem>>, vector<16xf32>,
      %parallel_loop3A_115 = arith.index_cast %parallel_loop3A_86 : i32 to index
      %parallel_loop3A_116 = arith.constant 64 : index
      %parallel_loop3A_117 = tpu.vector_load %arg5[%parallel_loop3A_115, %parallel_loop3A_116] {strides = array<i32>} : memref<200x128xi32, #tpu.memory_space<vmem>>, vector<16xi32>,
      %parallel_loop3A_118 = tpu.vector_load_idx %arg7[%parallel_loop3A_117] : memref<256xf32, #tpu.memory_space<vmem>>[vector<16xi32>], vector<16xf32>,
      %parallel_loop3A_119 = arith.index_cast %parallel_loop3A_86 : i32 to index
      %parallel_loop3A_120 = arith.constant 64 : index
      %parallel_loop3A_121 = tpu.vector_load %arg6[%parallel_loop3A_119, %parallel_loop3A_120] {strides = array<i32>} : memref<200x128xf32, #tpu.memory_space<vmem>>, vector<16xf32>,
      tpu.vector_store %arg6[%parallel_loop3A_119, %parallel_loop3A_120], %parallel_loop3A_118 {strides = array<i32>} : memref<200x128xf32, #tpu.memory_space<vmem>>, vector<16xf32>,
      %parallel_loop3A_122 = arith.index_cast %parallel_loop3A_86 : i32 to index
      %parallel_loop3A_123 = arith.constant 80 : index
      %parallel_loop3A_124 = tpu.vector_load %arg5[%parallel_loop3A_122, %parallel_loop3A_123] {strides = array<i32>} : memref<200x128xi32, #tpu.memory_space<vmem>>, vector<16xi32>,
      %parallel_loop3A_125 = tpu.vector_load_idx %arg7[%parallel_loop3A_124] : memref<256xf32, #tpu.memory_space<vmem>>[vector<16xi32>], vector<16xf32>,
      %parallel_loop3A_126 = arith.index_cast %parallel_loop3A_86 : i32 to index
      %parallel_loop3A_127 = arith.constant 80 : index
      %parallel_loop3A_128 = tpu.vector_load %arg6[%parallel_loop3A_126, %parallel_loop3A_127] {strides = array<i32>} : memref<200x128xf32, #tpu.memory_space<vmem>>, vector<16xf32>,
      tpu.vector_store %arg6[%parallel_loop3A_126, %parallel_loop3A_127], %parallel_loop3A_125 {strides = array<i32>} : memref<200x128xf32, #tpu.memory_space<vmem>>, vector<16xf32>,
      %parallel_loop3A_129 = arith.index_cast %parallel_loop3A_86 : i32 to index
      %parallel_loop3A_130 = arith.constant 96 : index
      %parallel_loop3A_131 = tpu.vector_load %arg5[%parallel_loop3A_129, %parallel_loop3A_130] {strides = array<i32>} : memref<200x128xi32, #tpu.memory_space<vmem>>, vector<16xi32>,
      %parallel_loop3A_132 = tpu.vector_load_idx %arg7[%parallel_loop3A_131] : memref<256xf32, #tpu.memory_space<vmem>>[vector<16xi32>], vector<16xf32>,
      %parallel_loop3A_133 = arith.index_cast %parallel_loop3A_86 : i32 to index
      %parallel_loop3A_134 = arith.constant 96 : index
      %parallel_loop3A_135 = tpu.vector_load %arg6[%parallel_loop3A_133, %parallel_loop3A_134] {strides = array<i32>} : memref<200x128xf32, #tpu.memory_space<vmem>>, vector<16xf32>,
      tpu.vector_store %arg6[%parallel_loop3A_133, %parallel_loop3A_134], %parallel_loop3A_132 {strides = array<i32>} : memref<200x128xf32, #tpu.memory_space<vmem>>, vector<16xf32>,
      %parallel_loop3A_136 = arith.index_cast %parallel_loop3A_86 : i32 to index
      %parallel_loop3A_137 = arith.constant 112 : index
      %parallel_loop3A_138 = tpu.vector_load %arg5[%parallel_loop3A_136, %parallel_loop3A_137] {strides = array<i32>} : memref<200x128xi32, #tpu.memory_space<vmem>>, vector<16xi32>,
      %parallel_loop3A_139 = tpu.vector_load_idx %arg7[%parallel_loop3A_138] : memref<256xf32, #tpu.memory_space<vmem>>[vector<16xi32>], vector<16xf32>,
      %parallel_loop3A_140 = arith.index_cast %parallel_loop3A_86 : i32 to index
      %parallel_loop3A_141 = arith.constant 112 : index
      %parallel_loop3A_142 = tpu.vector_load %arg6[%parallel_loop3A_140, %parallel_loop3A_141] {strides = array<i32>} : memref<200x128xf32, #tpu.memory_space<vmem>>, vector<16xf32>,
      tpu.vector_store %arg6[%parallel_loop3A_140, %parallel_loop3A_141], %parallel_loop3A_139 {strides = array<i32>} : memref<200x128xf32, #tpu.memory_space<vmem>>, vector<16xf32>,
    } {sc.loop_unroll_factor = 2 : i64, sc.parallel_access}
    %dma_start3A_33 = arith.constant 0 : i32
    %dma_start3A_34 = arith.constant 0 : i32
    %dma_start3A_35 = tpu.memref_slice %arg6[%dma_start3A_33, %dma_start3A_34] : memref<200x128xf32, #tpu.memory_space<vmem>> -> memref<96x128xf32, #tpu.memory_space<vmem>>
    %dma_start3A_36 = arith.constant 0 : i32
    %dma_start3A_37 = tpu.memref_slice %arg4[%dma_start3A_36, %mul3A_2] : memref<200x4096xf32, #tpu.memory_space<hbm>> -> memref<96x128xf32, #tpu.memory_space<hbm>>
    %dma_start3A_38 = arith.constant 0 : i32
    %dma_start3A_39 = tpu.memref_slice %arg4[%dma_start3A_38, %mul3A_2] : memref<200x4096xf32, #tpu.memory_space<hbm>> -> memref<96x128xf32, #tpu.memory_space<hbm>>
    %dma_start3A_40 = arith.constant 0 : i32
    %dma_start3A_41 = arith.constant 0 : i32
    %dma_start3A_42 = tpu.memref_slice %arg6[%dma_start3A_40, %dma_start3A_41] : memref<200x128xf32, #tpu.memory_space<vmem>> -> memref<96x128xf32, #tpu.memory_space<vmem>>
    tpu.enqueue_dma source(%dma_start3A_42 : memref<96x128xf32, #tpu.memory_space<vmem>>) target(%dma_start3A_39 : memref<96x128xf32, #tpu.memory_space<hbm>>) target_semaphore(%arg10 : memref<!tpu.dma_semaphore, #tpu.memory_space<semaphore_mem>>)
    %dma_wait3A_43 = arith.constant 96 : i32
    %dma_wait3A_44 = arith.constant 0 : i32
    %dma_wait3A_45 = tpu.memref_slice %arg5[%dma_wait3A_43, %dma_wait3A_44] : memref<200x128xi32, #tpu.memory_space<vmem>> -> memref<104x128xi32, #tpu.memory_space<vmem>>
    %dma_wait3A_46 = arith.constant 96 : i32
    %dma_wait3A_47 = tpu.memref_slice %arg2[%dma_wait3A_46, %mul3A_2] : memref<200x4096xi32, #tpu.memory_space<hbm>> -> memref<104x128xi32, #tpu.memory_space<hbm>>
    %dma_wait3A_48 = arith.constant 96 : i32
    %dma_wait3A_49 = arith.constant 0 : i32
    %dma_wait3A_50 = tpu.memref_slice %arg5[%dma_wait3A_48, %dma_wait3A_49] : memref<200x128xi32, #tpu.memory_space<vmem>> -> memref<104x128xi32, #tpu.memory_space<vmem>>
    %dma_wait3A_51 = arith.constant 96 : i32
    %dma_wait3A_52 = tpu.memref_slice %arg2[%dma_wait3A_51, %mul3A_2] : memref<200x4096xi32, #tpu.memory_space<hbm>> -> memref<104x128xi32, #tpu.memory_space<hbm>>
    tpu.wait_dma2 semaphore(%arg9 : memref<!tpu.dma_semaphore, #tpu.memory_space<semaphore_mem>>) src(%dma_wait3A_52 : memref<104x128xi32, #tpu.memory_space<hbm>>) dst(%dma_wait3A_50 : memref<104x128xi32, #tpu.memory_space<vmem>>)
    %parallel_loop3A_53 = arith.constant 96 : i32
    %parallel_loop3A_54 = arith.constant 200 : i32
    %parallel_loop3A_55 = arith.constant 1 : i32
    scf.for %parallel_loop3A_86 = %parallel_loop3A_53 to %parallel_loop3A_54 step %parallel_loop3A_55  : i32 {
      %parallel_loop3A_87 = arith.index_cast %parallel_loop3A_86 : i32 to index
      %parallel_loop3A_88 = arith.constant 0 : index
      %parallel_loop3A_89 = tpu.vector_load %arg5[%parallel_loop3A_87, %parallel_loop3A_88] {strides = array<i32>} : memref<200x128xi32, #tpu.memory_space<vmem>>, vector<16xi32>,
      %parallel_loop3A_90 = tpu.vector_load_idx %arg7[%parallel_loop3A_89] : memref<256xf32, #tpu.memory_space<vmem>>[vector<16xi32>], vector<16xf32>,
      %parallel_loop3A_91 = arith.index_cast %parallel_loop3A_86 : i32 to index
      %parallel_loop3A_92 = arith.constant 0 : index
      %parallel_loop3A_93 = tpu.vector_load %arg6[%parallel_loop3A_91, %parallel_loop3A_92] {strides = array<i32>} : memref<200x128xf32, #tpu.memory_space<vmem>>, vector<16xf32>,
      tpu.vector_store %arg6[%parallel_loop3A_91, %parallel_loop3A_92], %parallel_loop3A_90 {strides = array<i32>} : memref<200x128xf32, #tpu.memory_space<vmem>>, vector<16xf32>,
      %parallel_loop3A_94 = arith.index_cast %parallel_loop3A_86 : i32 to index
      %parallel_loop3A_95 = arith.constant 16 : index
      %parallel_loop3A_96 = tpu.vector_load %arg5[%parallel_loop3A_94, %parallel_loop3A_95] {strides = array<i32>} : memref<200x128xi32, #tpu.memory_space<vmem>>, vector<16xi32>,
      %parallel_loop3A_97 = tpu.vector_load_idx %arg7[%parallel_loop3A_96] : memref<256xf32, #tpu.memory_space<vmem>>[vector<16xi32>], vector<16xf32>,
      %parallel_loop3A_98 = arith.index_cast %parallel_loop3A_86 : i32 to index
      %parallel_loop3A_99 = arith.constant 16 : index
      %parallel_loop3A_100 = tpu.vector_load %arg6[%parallel_loop3A_98, %parallel_loop3A_99] {strides = array<i32>} : memref<200x128xf32, #tpu.memory_space<vmem>>, vector<16xf32>,
      tpu.vector_store %arg6[%parallel_loop3A_98, %parallel_loop3A_99], %parallel_loop3A_97 {strides = array<i32>} : memref<200x128xf32, #tpu.memory_space<vmem>>, vector<16xf32>,
      %parallel_loop3A_101 = arith.index_cast %parallel_loop3A_86 : i32 to index
      %parallel_loop3A_102 = arith.constant 32 : index
      %parallel_loop3A_103 = tpu.vector_load %arg5[%parallel_loop3A_101, %parallel_loop3A_102] {strides = array<i32>} : memref<200x128xi32, #tpu.memory_space<vmem>>, vector<16xi32>,
      %parallel_loop3A_104 = tpu.vector_load_idx %arg7[%parallel_loop3A_103] : memref<256xf32, #tpu.memory_space<vmem>>[vector<16xi32>], vector<16xf32>,
      %parallel_loop3A_105 = arith.index_cast %parallel_loop3A_86 : i32 to index
      %parallel_loop3A_106 = arith.constant 32 : index
      %parallel_loop3A_107 = tpu.vector_load %arg6[%parallel_loop3A_105, %parallel_loop3A_106] {strides = array<i32>} : memref<200x128xf32, #tpu.memory_space<vmem>>, vector<16xf32>,
      tpu.vector_store %arg6[%parallel_loop3A_105, %parallel_loop3A_106], %parallel_loop3A_104 {strides = array<i32>} : memref<200x128xf32, #tpu.memory_space<vmem>>, vector<16xf32>,
      %parallel_loop3A_108 = arith.index_cast %parallel_loop3A_86 : i32 to index
      %parallel_loop3A_109 = arith.constant 48 : index
      %parallel_loop3A_110 = tpu.vector_load %arg5[%parallel_loop3A_108, %parallel_loop3A_109] {strides = array<i32>} : memref<200x128xi32, #tpu.memory_space<vmem>>, vector<16xi32>,
      %parallel_loop3A_111 = tpu.vector_load_idx %arg7[%parallel_loop3A_110] : memref<256xf32, #tpu.memory_space<vmem>>[vector<16xi32>], vector<16xf32>,
      %parallel_loop3A_112 = arith.index_cast %parallel_loop3A_86 : i32 to index
      %parallel_loop3A_113 = arith.constant 48 : index
      %parallel_loop3A_114 = tpu.vector_load %arg6[%parallel_loop3A_112, %parallel_loop3A_113] {strides = array<i32>} : memref<200x128xf32, #tpu.memory_space<vmem>>, vector<16xf32>,
      tpu.vector_store %arg6[%parallel_loop3A_112, %parallel_loop3A_113], %parallel_loop3A_111 {strides = array<i32>} : memref<200x128xf32, #tpu.memory_space<vmem>>, vector<16xf32>,
      %parallel_loop3A_115 = arith.index_cast %parallel_loop3A_86 : i32 to index
      %parallel_loop3A_116 = arith.constant 64 : index
      %parallel_loop3A_117 = tpu.vector_load %arg5[%parallel_loop3A_115, %parallel_loop3A_116] {strides = array<i32>} : memref<200x128xi32, #tpu.memory_space<vmem>>, vector<16xi32>,
      %parallel_loop3A_118 = tpu.vector_load_idx %arg7[%parallel_loop3A_117] : memref<256xf32, #tpu.memory_space<vmem>>[vector<16xi32>], vector<16xf32>,
      %parallel_loop3A_119 = arith.index_cast %parallel_loop3A_86 : i32 to index
      %parallel_loop3A_120 = arith.constant 64 : index
      %parallel_loop3A_121 = tpu.vector_load %arg6[%parallel_loop3A_119, %parallel_loop3A_120] {strides = array<i32>} : memref<200x128xf32, #tpu.memory_space<vmem>>, vector<16xf32>,
      tpu.vector_store %arg6[%parallel_loop3A_119, %parallel_loop3A_120], %parallel_loop3A_118 {strides = array<i32>} : memref<200x128xf32, #tpu.memory_space<vmem>>, vector<16xf32>,
      %parallel_loop3A_122 = arith.index_cast %parallel_loop3A_86 : i32 to index
      %parallel_loop3A_123 = arith.constant 80 : index
      %parallel_loop3A_124 = tpu.vector_load %arg5[%parallel_loop3A_122, %parallel_loop3A_123] {strides = array<i32>} : memref<200x128xi32, #tpu.memory_space<vmem>>, vector<16xi32>,
      %parallel_loop3A_125 = tpu.vector_load_idx %arg7[%parallel_loop3A_124] : memref<256xf32, #tpu.memory_space<vmem>>[vector<16xi32>], vector<16xf32>,
      %parallel_loop3A_126 = arith.index_cast %parallel_loop3A_86 : i32 to index
      %parallel_loop3A_127 = arith.constant 80 : index
      %parallel_loop3A_128 = tpu.vector_load %arg6[%parallel_loop3A_126, %parallel_loop3A_127] {strides = array<i32>} : memref<200x128xf32, #tpu.memory_space<vmem>>, vector<16xf32>,
      tpu.vector_store %arg6[%parallel_loop3A_126, %parallel_loop3A_127], %parallel_loop3A_125 {strides = array<i32>} : memref<200x128xf32, #tpu.memory_space<vmem>>, vector<16xf32>,
      %parallel_loop3A_129 = arith.index_cast %parallel_loop3A_86 : i32 to index
      %parallel_loop3A_130 = arith.constant 96 : index
      %parallel_loop3A_131 = tpu.vector_load %arg5[%parallel_loop3A_129, %parallel_loop3A_130] {strides = array<i32>} : memref<200x128xi32, #tpu.memory_space<vmem>>, vector<16xi32>,
      %parallel_loop3A_132 = tpu.vector_load_idx %arg7[%parallel_loop3A_131] : memref<256xf32, #tpu.memory_space<vmem>>[vector<16xi32>], vector<16xf32>,
      %parallel_loop3A_133 = arith.index_cast %parallel_loop3A_86 : i32 to index
      %parallel_loop3A_134 = arith.constant 96 : index
      %parallel_loop3A_135 = tpu.vector_load %arg6[%parallel_loop3A_133, %parallel_loop3A_134] {strides = array<i32>} : memref<200x128xf32, #tpu.memory_space<vmem>>, vector<16xf32>,
      tpu.vector_store %arg6[%parallel_loop3A_133, %parallel_loop3A_134], %parallel_loop3A_132 {strides = array<i32>} : memref<200x128xf32, #tpu.memory_space<vmem>>, vector<16xf32>,
      %parallel_loop3A_136 = arith.index_cast %parallel_loop3A_86 : i32 to index
      %parallel_loop3A_137 = arith.constant 112 : index
      %parallel_loop3A_138 = tpu.vector_load %arg5[%parallel_loop3A_136, %parallel_loop3A_137] {strides = array<i32>} : memref<200x128xi32, #tpu.memory_space<vmem>>, vector<16xi32>,
      %parallel_loop3A_139 = tpu.vector_load_idx %arg7[%parallel_loop3A_138] : memref<256xf32, #tpu.memory_space<vmem>>[vector<16xi32>], vector<16xf32>,
      %parallel_loop3A_140 = arith.index_cast %parallel_loop3A_86 : i32 to index
      %parallel_loop3A_141 = arith.constant 112 : index
      %parallel_loop3A_142 = tpu.vector_load %arg6[%parallel_loop3A_140, %parallel_loop3A_141] {strides = array<i32>} : memref<200x128xf32, #tpu.memory_space<vmem>>, vector<16xf32>,
      tpu.vector_store %arg6[%parallel_loop3A_140, %parallel_loop3A_141], %parallel_loop3A_139 {strides = array<i32>} : memref<200x128xf32, #tpu.memory_space<vmem>>, vector<16xf32>,
    } {sc.loop_unroll_factor = 2 : i64, sc.parallel_access}
    %dma_start3A_56 = arith.constant 96 : i32
    %dma_start3A_57 = arith.constant 0 : i32
    %dma_start3A_58 = tpu.memref_slice %arg6[%dma_start3A_56, %dma_start3A_57] : memref<200x128xf32, #tpu.memory_space<vmem>> -> memref<104x128xf32, #tpu.memory_space<vmem>>
    %dma_start3A_59 = arith.constant 96 : i32
    %dma_start3A_60 = tpu.memref_slice %arg4[%dma_start3A_59, %mul3A_2] : memref<200x4096xf32, #tpu.memory_space<hbm>> -> memref<104x128xf32, #tpu.memory_space<hbm>>
    %dma_start3A_61 = arith.constant 96 : i32
    %dma_start3A_62 = tpu.memref_slice %arg4[%dma_start3A_61, %mul3A_2] : memref<200x4096xf32, #tpu.memory_space<hbm>> -> memref<104x128xf32, #tpu.memory_space<hbm>>
    %dma_start3A_63 = arith.constant 96 : i32
    %dma_start3A_64 = arith.constant 0 : i32
    %dma_start3A_65 = tpu.memref_slice %arg6[%dma_start3A_63, %dma_start3A_64] : memref<200x128xf32, #tpu.memory_space<vmem>> -> memref<104x128xf32, #tpu.memory_space<vmem>>
    tpu.enqueue_dma source(%dma_start3A_65 : memref<104x128xf32, #tpu.memory_space<vmem>>) target(%dma_start3A_62 : memref<104x128xf32, #tpu.memory_space<hbm>>) target_semaphore(%arg11 : memref<!tpu.dma_semaphore, #tpu.memory_space<semaphore_mem>>)
    %dma_wait3A_66 = arith.constant 0 : i32
    %dma_wait3A_67 = arith.constant 0 : i32
    %dma_wait3A_68 = tpu.memref_slice %arg6[%dma_wait3A_66, %dma_wait3A_67] : memref<200x128xf32, #tpu.memory_space<vmem>> -> memref<96x128xf32, #tpu.memory_space<vmem>>
    %dma_wait3A_69 = arith.constant 0 : i32
    %dma_wait3A_70 = tpu.memref_slice %arg4[%dma_wait3A_69, %mul3A_2] : memref<200x4096xf32, #tpu.memory_space<hbm>> -> memref<96x128xf32, #tpu.memory_space<hbm>>
    %dma_wait3A_71 = arith.constant 0 : i32
    %dma_wait3A_72 = tpu.memref_slice %arg4[%dma_wait3A_71, %mul3A_2] : memref<200x4096xf32, #tpu.memory_space<hbm>> -> memref<96x128xf32, #tpu.memory_space<hbm>>
    %dma_wait3A_73 = arith.constant 0 : i32
    %dma_wait3A_74 = arith.constant 0 : i32
    %dma_wait3A_75 = tpu.memref_slice %arg6[%dma_wait3A_73, %dma_wait3A_74] : memref<200x128xf32, #tpu.memory_space<vmem>> -> memref<96x128xf32, #tpu.memory_space<vmem>>
    tpu.wait_dma2 semaphore(%arg10 : memref<!tpu.dma_semaphore, #tpu.memory_space<semaphore_mem>>) src(%dma_wait3A_75 : memref<96x128xf32, #tpu.memory_space<vmem>>) dst(%dma_wait3A_72 : memref<96x128xf32, #tpu.memory_space<hbm>>)
    %dma_wait3A_76 = arith.constant 96 : i32
    %dma_wait3A_77 = arith.constant 0 : i32
    %dma_wait3A_78 = tpu.memref_slice %arg6[%dma_wait3A_76, %dma_wait3A_77] : memref<200x128xf32, #tpu.memory_space<vmem>> -> memref<104x128xf32, #tpu.memory_space<vmem>>
    %dma_wait3A_79 = arith.constant 96 : i32
    %dma_wait3A_80 = tpu.memref_slice %arg4[%dma_wait3A_79, %mul3A_2] : memref<200x4096xf32, #tpu.memory_space<hbm>> -> memref<104x128xf32, #tpu.memory_space<hbm>>
    %dma_wait3A_81 = arith.constant 96 : i32
    %dma_wait3A_82 = tpu.memref_slice %arg4[%dma_wait3A_81, %mul3A_2] : memref<200x4096xf32, #tpu.memory_space<hbm>> -> memref<104x128xf32, #tpu.memory_space<hbm>>
    %dma_wait3A_83 = arith.constant 96 : i32
    %dma_wait3A_84 = arith.constant 0 : i32
    %dma_wait3A_85 = tpu.memref_slice %arg6[%dma_wait3A_83, %dma_wait3A_84] : memref<200x128xf32, #tpu.memory_space<vmem>> -> memref<104x128xf32, #tpu.memory_space<vmem>>
    tpu.wait_dma2 semaphore(%arg11 : memref<!tpu.dma_semaphore, #tpu.memory_space<semaphore_mem>>) src(%dma_wait3A_85 : memref<104x128xf32, #tpu.memory_space<vmem>>) dst(%dma_wait3A_82 : memref<104x128xf32, #tpu.memory_space<hbm>>)
    return
  }
}

</mosaic_0001>

<sc_bundles>
// kernel: kernel.3.cloned.1.call-start
scs
__scs_entry_jumppad:
0x0: {  	(pc) =	sbr.rel $0x88, $3  }
0x1: {  	(tag) =	ssettag $0x0;
	lr =	simm.s32 $0x1  }
0x2: {  	[smem:$0x3F9F] =	sst lr;
	_ =	strace $0xD0000000  }
0x3: {  	_ = 	snop  }
0x4: {  	_ = 	snop  }
0x5: {  	_ = 	snop  }
0x6: {  	_ = 	snop  }
0x7: {  	_ = 	snop  }
__scs_overlays_trampoline_lowered:
0x8: {  	[smem:$0x3FAE] =	sst s0  }
0x9: {  	[smem:$0x3FAF] =	sst s1  }
0xa: {  	[smem:$0x3FB0] =	sst s2  }
0xb: {  	[smem:$0x3FB1] =	sst s3  }
0xc: {  	[smem:$0x3FB2] =	sst s4  }
0xd: {  	[smem:$0x3FB3] =	sst s5  }
0xe: {  	[smem:$0x3FB4] =	sst s6  }
0xf: {  	[smem:$0x3FB5] =	sst s7  }
0x10: {  	[smem:$0x3FB6] =	sst s8  }
0x11: {  	[smem:$0x3FB7] =	sst s9;
	s0 =	simm.s32 @!p0 $0x0  }
0x12: {  	s1 =	sld [smem:$0x3F9D];
	s0 =	simm.s32 @p0 $0x1  }
0x13: {  	[smem:$0x3FB8] =	sst s0;
	s0 =	simm.s32 @!p1 $0x0  }
0x14: {  	s2 =	sld [smem:$0x3F9C];
	s0 =	simm.s32 @p1 $0x1  }
0x15: {  	[smem:$0x3FB9] =	sst s0;
	s0 =	simm.s32 @!p2 $0x0  }
0x16: {  	s3 =	sld [smem:$0x3FDB];
	s0 =	simm.s32 @p2 $0x1  }
0x17: {  	s4 =	simm.s32 $0x1BF5;
	[smem:$0x3FBB] =	sst s0  }
0x18: {  	s0 =	sld [smem:$0x3F9E];
	_ =	swait.ge [sflag:s4], $0x0  }
0x19: {  	s7 =	sld [smem:$0x3F9F]  }
0x1a: {  	s8 =	sadd.s32 $0xFFFFE003, lr  }
0x1b: {  	s9 =	sadd.s32 $0xFFFFFEF7, lr;
	s5 =	simm.s32 $0xFFFFFFFF;
	p2 =	slt.u32 s8, $0xFFFFF086  }
0x1c: {  	p1 =	slt.u32 s9, $0xF7A;
	s5 =	simm.s32 @!p2 $0x0  }
0x1d: {  	s5 =	simm.s32 @p1 $0x1;
	p0 =	seq.s32 s7, s2  }
0x1e: {  	s7 =	smul.u32 @!p0 $0xF7A, s2;
	p2 =	seq.s32 @!p0 s5, $0x0  }
0x1f: {  	s9 =	smul.u32 $0xF7A, s1;
	s8 =	simm.s32 @!p0 $0x1BF5;
	p2 =	por !p2, p0  }
0x20: {  	[sflag:s8] =	ssyncset.s32 @!p0 $0xFFFFF086;
	s6 =	sadd.s32 @!p0 s3, s7;
	s7 =	simm.s32 @!p0 $0x108  }
0x21: {  	s3 =	sadd.s32 s3, s9;
	s6 =	sadd.s32 @!p0 $0x88, s6;
	s7 =	simm.s32 @p2 $0x1082  }
0x22: {  	[simem:s7], [sflag:s8] =	dma.local @!p0 [hbm:s6], $0xF7A  }
0x23: {  	s9 =	sor.u32 $0xD0000000, s2;
	s6 =	simm.s32 $0x108;
	_ =	swait.ge @!p0 [sflag:s8], $0x0  }
0x24: {  	s3 =	sadd.s32 $0x88, s3;
	s6 =	simm.s32 @!p1 $0x1082;
	[sflag:s4] =	ssyncset.s32 $0xFFFFF086  }
0x25: {  	[simem:s6], [sflag:s4] =	dma.local [hbm:s3], $0xF7A  }
0x26: {  	[smem:$0x3F9F] =	sst s1;
	(tag) =	ssettag s2;
	_ =	strace s9  }
0x27: {  	s1 =	sld [smem:$0x3FAF]  }
0x28: {  	s2 =	sld [smem:$0x3FB0]  }
0x29: {  	s4 =	sld [smem:$0x3FB2]  }
0x2a: {  	p0 =	seq.s32 s5, $0x0;
	s5 =	sld [smem:$0x3FB3]  }
0x2b: {  	s6 =	sld [smem:$0x3FB4]  }
0x2c: {  	s7 =	sld [smem:$0x3FB5]  }
0x2d: {  	s3 =	simm.s32 $0x108;
	s8 =	sld [smem:$0x3FB6]  }
0x2e: {  	s3 =	simm.s32 @!p0 $0x1082;
	s9 =	sld [smem:$0x3FB7]  }
0x2f: {  	lr =	sadd.s32 s0, s3;
	s0 =	sld [smem:$0x3FAE]  }
0x30: {  	s3 =	sld [smem:$0x3FB1]  }
0x31: {  	[smem:$0x3FBA] =	sst s10  }
0x32: {  	s10 =	sld [smem:$0x3FB8];
	_ =	sdelay $0x3  }
0x33: {  	p0 =	seq.s32 s10, $0x1;
	s10 =	sld [smem:$0x3FBA];
	_ =	sdelay $0x3  }
0x34: {  	[smem:$0x3FBA] =	sst s10  }
0x35: {  	s10 =	sld [smem:$0x3FB9];
	_ =	sdelay $0x3  }
0x36: {  	p1 =	seq.s32 s10, $0x1;
	s10 =	sld [smem:$0x3FBA];
	_ =	sdelay $0x3  }
0x37: {  	[smem:$0x3FBA] =	sst s10  }
0x38: {  	s10 =	sld [smem:$0x3FBB]  }
0x39: {  	_ = 	snop;
	(pc) =	sbr.ind lr, $3  }
0x3a: {  	_ = 	snop  }
0x3b: {  	_ = 	snop  }
0x3c: {  	p2 =	seq.s32 s10, $0x1;
	s10 =	sld [smem:$0x3FBA]  }
0x3d: {  	_ =	shalt  }
0x3e: {  	_ =	shalt  }
0x3f: {  	_ =	shalt  }
0x40: {  	_ =	shalt  }
0x41: {  	_ =	shalt  }
0x42: {  	_ =	shalt  }
0x43: {  	_ =	shalt  }
0x44: {  	_ =	shalt  }
0x45: {  	_ =	shalt  }
0x46: {  	_ =	shalt  }
0x47: {  	_ =	shalt  }
0x48: {  	_ =	shalt  }
0x49: {  	_ =	shalt  }
0x4a: {  	_ =	shalt  }
0x4b: {  	_ =	shalt  }
0x4c: {  	_ =	shalt  }
0x4d: {  	_ =	shalt  }
0x4e: {  	_ =	shalt  }
0x4f: {  	_ =	shalt  }
0x50: {  	_ =	shalt  }
0x51: {  	_ =	shalt  }
0x52: {  	_ =	shalt  }
0x53: {  	_ =	shalt  }
0x54: {  	_ =	shalt  }
0x55: {  	_ =	shalt  }
0x56: {  	_ =	shalt  }
0x57: {  	_ =	shalt  }
0x58: {  	_ =	shalt  }
0x59: {  	_ =	shalt  }
0x5a: {  	_ =	shalt  }
0x5b: {  	_ =	shalt  }
0x5c: {  	_ =	shalt  }
0x5d: {  	_ =	shalt  }
0x5e: {  	_ =	shalt  }
0x5f: {  	_ =	shalt  }
0x60: {  	_ =	shalt  }
0x61: {  	_ =	shalt  }
0x62: {  	_ =	shalt  }
0x63: {  	_ =	shalt  }
0x64: {  	_ =	shalt  }
0x65: {  	_ =	shalt  }
0x66: {  	_ =	shalt  }
0x67: {  	_ =	shalt  }
0x68: {  	_ =	shalt  }
0x69: {  	_ =	shalt  }
0x6a: {  	_ =	shalt  }
0x6b: {  	_ =	shalt  }
0x6c: {  	_ =	shalt  }
0x6d: {  	_ =	shalt  }
0x6e: {  	_ =	shalt  }
0x6f: {  	_ =	shalt  }
0x70: {  	_ =	shalt  }
0x71: {  	_ =	shalt  }
0x72: {  	_ =	shalt  }
0x73: {  	_ =	shalt  }
0x74: {  	_ =	shalt  }
0x75: {  	_ =	shalt  }
0x76: {  	_ =	shalt  }
0x77: {  	_ =	shalt  }
0x78: {  	_ =	shalt  }
0x79: {  	_ =	shalt  }
0x7a: {  	_ =	shalt  }
0x7b: {  	_ =	shalt  }
0x7c: {  	_ =	shalt  }
0x7d: {  	_ =	shalt  }
0x7e: {  	_ =	shalt  }
0x7f: {  	_ =	shalt  }
0x80: {  	_ =	shalt  }
0x81: {  	_ =	shalt  }
0x82: {  	_ =	shalt  }
0x83: {  	_ =	shalt  }
0x84: {  	_ =	shalt  }
0x85: {  	_ =	shalt  }
0x86: {  	_ =	shalt  }
0x87: {  	_ =	shalt  }
.Lfunc_end0:
.L_simem_size_0:
called_computation_lowered:
.L_overlay_start_0:
0x88: {  	s2 =	sld [smem:$0x3FD9]  }
0x89: {  	s3 =	sld [smem:$0x3FFE];
	_ =	sdelay $0x1  }
0x8a: {  	s1 =	srdreg.scid  }
0x8b: {  	s0 =	sand.u32 $0x1, s1  }
0x8c: {  	s18 =	sshll.u32 s0, $0xA;
	s2 =	sadd.s32 s3, s2  }
0x8d: {  	s2 =	sadd.s32 s2, s18  }
0x8e: {  	[smem:$0x3FC6] =	sst s2  }
0x8f: {  	_ = 	snop  }
0x90: {  	s2 =	sld [smem:$0x3FC9]  }
0x91: {  	s19 =	sld [smem:$0x3FC8]  }
0x92: {  	s4 =	sld [smem:$0x3FD0];
	(tm) =	ssettm $0x1  }
0x93: {  	s5 =	sld [smem:$0x3FFB];
	_ =	sdelay $0x3  }
0x94: {  	_ =	strace s5  }
0x95: {  	s5 =	sld [smem:$0x3FFC];
	_ =	sdelay $0x3  }
0x96: {  	_ =	strace s5  }
0x97: {  	s5 =	sld [smem:$0x3FFD];
	_ =	sdelay $0x3  }
0x98: {  	_ =	strace s5  }
0x99: {  	_ =	strace $0x8FFFFFFF  }
0x9a: {  	s20 =	sld [smem:$0x3FDB];
	_ =	sdelay $0x1  }
0x9b: {  	s6 =	simm.s32 $_scs_section_size  }
0x9c: {  	s7 =	simm.s32 $_size__tile_overlayer_lowered;
	s8 =	simm.s32 $_tile_overlayer_lowered  }
0x9d: {  	s23 =	simm.s32 $0x1BFF;
	s22 =	sshll.u32 s8, $0x1;
	s5 =	sadd.s32 s6, s20  }
0x9e: {  	s9 =	simm.s32 $0x0;
	s21 =	sshll.u32 s7, $0x1;
	s7 =	sadd.s32 s22, s5  }
0x9f: {  	[timem:s9], [sflag:s23] =	dma.local [hbm:s7], s21  }
0xa0: {  	_ =	swait.ge [sflag:s23], s21  }
0xa1: {  	s6 =	ssub.s32 $0x0, s21;
	[sflag:s23] =	ssyncset.done $0x0  }
0xa2: {  	[sflag:s23] =	ssyncadd.s32 s6;
	_ =	sdelay $0x1  }
0xa3: {  	s24 =	simm.s32 $0x1B8B  }
0xa4: {  	_ =	swait.ge [sflag:s24], $0x1  }
0xa5: {  	[sflag:s24] =	ssyncset.done $0x0  }
0xa6: {  	s25 =	simm.s32 $0x1B8E;
	[sflag:s24] =	ssyncadd.s32 $0xFFFFFFFF  }
0xa7: {  	s26 =	simm.s32 $execute0_lowered;
	[smem:$0x3FD2] =	sst s25  }
0xa8: {  	s6 =	sshll.u32 s26, $0x1;
	_ =	strace $0x80000046;
	[dreg:$0x1] =	wrdreg $0xFFFFFFFF  }
0xa9: {  	s28 =	simm.s32 $_size_execute0_lowered;
	s5 =	sadd.s32 s5, s6;
	[dreg:$0x0] =	wrdreg $0x0  }
0xaa: {  	s6 =	sshll.u32 s28, $0x1;
	[dreg:$0x2] =	wrdreg s5  }
0xab: {  	[dreg:$0x3] =	wrdreg s6  }
0xac: {  	[dreg:$0x4] =	wrdreg $0xC0  }
0xad: {  	_ =	task [dreg:s9], $0x5FFFF  }
0xae: {  	[dreg:$0x1] =	wrdreg $0xFFFFFFFF  }
0xaf: {  	[dreg:$0x0] =	wrdreg $0x60  }
0xb0: {  	[dreg:$0x2] =	wrdreg s2  }
0xb1: {  	[dreg:$0x3] =	wrdreg s19  }
0xb2: {  	[dreg:$0x4] =	wrdreg s4  }
0xb3: {  	[dreg:$0x5] =	wrdreg $0x9  }
0xb4: {  	_ =	task.clear_ibuf [dreg:s9], $0x6FFFF;
	_ =	strace $0x90000046  }
0xb5: {  	s29 =	simm.s32 $0x9;
	_ =	strace $0x80000048  }
0xb6: {  	_ =	swait.ge [sflag:s29], $0x1  }
0xb7: {  	[sflag:s29] =	ssyncadd.s32 $0xFFFFFFFF  }
0xb8: {  	_ =	strace $0x90000048  }
0xb9: {  	_ =	sfence  }
0xba: {  	s30 =	sld [smem:$0x0];
	_ =	sdelay $0x2  }
0xbb: {  	s31 =	sshll.u32 s1, $0xD;
	s1 =	sshrl.u32 s1, $0x2  }
0xbc: {  	s3 =	sand.u32 $0x4000, s31;
	s1 =	sadd.s32 s1, s30  }
0xbd: {  	s0 =	sor.u32 s3, s0;
	s1 =	sshll.u32 s1, $0x11  }
0xbe: {  	s0 =	sor.u32 s1, s0  }
0xbf: {  	s0 =	sadd.s32 $0x8F2B, s0  }
0xc0: {  	[sflag:s0] =	ssyncadd.remote.s32 $0x1  }
0xc1: {  	_ =	sfence.sel $0xFFFF  }
0xc2: {  	[dreg:$0x0] =	wrdreg $0xFFFFFFFF;
	(pc) =	sbr.abs _section_cstart, $3  }
0xc3: {  	[dreg:$0x1] =	wrdreg $0xFFFFFFFF  }
0xc4: {  	_ =	task.clear_ibuf [dreg:s9], $0x2FFFF;
	_ =	strace $0x9FFFFFFF  }
0xc5: {  	(tm) =	ssettm $0x7FFFFFFF  }
tec
execute0_lowered:
.L_overlay_start_1:
0x0: {  	(tag) =	ssettag $0x1  }
0x1: {  	s5 =	rddreg [dreg:$0x0]  }
0x2: {  	s2 =	rddreg [dreg:$0x1]  }
0x3: {  	s7 =	rddreg [dreg:$0x2];
	s3 =	srdreg.scid  }
0x4: {  	s0 =	rddreg [dreg:$0x3];
	s1 =	stileid.u32;
	s10 =	simm.s32 $0x8000  }
0x5: {  	s11 =	simm.s32 $0x3000;
	s12 =	simm.s32 $0xC800;
	s13 =	simm.s32 $0x5  }
0x6: {  	s14 =	simm.s32 $0x1;
	s15 =	simm.s32 $0x6400;
	s16 =	simm.s32 $0x2  }
0x7: {  	s17 =	simm.s32 $0x9400;
	s18 =	simm.s32 $0x3;
	s19 =	simm.s32 $0x4  }
0x8: {  	s20 =	simm.s32 $0x0;
	s4 =	sand.u32 $0x1, s3;
	s3 =	simm.s32 $0x0  }
0x9: {  	s6 =	sshll.u32 s1, $0x8;
	s8 =	sshll.u32 s4, $0x7;
	s4 =	ssub.s32 $0x2, s4  }
0xa: {  	[smem:$0x7FF] =	sst s3;
	s6 =	sor.u32 s8, s6;
	s31 =	sshrl.u32 s4, $0x1  }
0xb: {  	_ =	strace $0x80000047;
	s9 =	sor.u32 $0xC000, s6;
	s8 =	ssub.s32 s4, s31  }
0xc: {  	s4 =	sadd.s32 s5, s6;
	s6 =	sadd.s32 s7, s6;
	s5 =	sadd.s32 s5, s9  }
0xd: {  	s7 =	sadd.s32 s7, s9;
	s8 =	smax.u32 s8, $0x1;
	s9 =	simm.s32 $0x400  }
.LBB2_1:
0xe: {  	[tilespmem:s3], [sflag:$0x1] =	stream.strided.gather [hbm4b:s4+s9], $0x3000, s10, s9, $0x38;
	[tilespmem:$0xC900] =	vst v63  }
0xf: {  	_ = 	snop  }
0x10: {  	[tilespmem:s11], [sflag:$0x2] =	stream.strided.gather [hbm4b:s5+s9], $0x3400, s10, s9, $0x38;
	[tilespmem:$0xC900] =	vst v63  }
0x11: {  	_ = 	snop  }
0x12: {  	[tilespmem:s12], [sflag:$0x5] =	stream.linear.gather [hbm4b:s2+s3], $0x100, $0x38;
	[tilespmem:$0xC900] =	vst v63  }
0x13: {  	_ =	swait.ge [sflag:s13], $0x100  }
0x14: {  	[sflag:s13] =	ssyncset.done $0x0  }
0x15: {  	[sflag:s13] =	ssyncadd.s32 $0xFFFFFF00  }
0x16: {  	_ =	swait.ge [sflag:s14], $0x3000  }
0x17: {  	[sflag:s14] =	ssyncset.done $0x0  }
0x18: {  	s29 =	simm.s32 $0x80;
	[sflag:s14] =	ssyncadd.s32 $0xFFFFD000  }
0x19: {  	v0 =	vld [tilespmem:s29+$0x0];
	_ =	sdelay $0x1  }
0x1a: {  	v1 =	vld [tilespmem:s29+$0xFFFFFF80];
	_ =	sdelay $0x5  }
0x1b: {  	v0 =	vld.idx.msk [tilespmem:v0+s12+$0x0], $0xffff;
	_ =	sdelay $0x1  }
0x1c: {  	v1 =	vld.idx.msk [tilespmem:v1+s12+$0x0], $0xffff;
	_ =	sdelay $0x1  }
0x1d: {  	s21 =	simm.s32 $0x6480  }
0x1e: {  	[tilespmem:s21+$0x0] =	vst v0  }
0x1f: {  	v0 =	vld [tilespmem:s29+$0x10]  }
0x20: {  	[tilespmem:s21+$0xFFFFFF80] =	vst v1  }
0x21: {  	v1 =	vld [tilespmem:s29+$0xFFFFFF90];
	_ =	sdelay $0x3  }
0x22: {  	s23 =	simm.s32 $0x180  }
0x23: {  	v2 =	vld [tilespmem:s23+$0x0]  }
0x24: {  	v0 =	vld.idx.msk [tilespmem:v0+s12+$0x0], $0xffff;
	_ =	sdelay $0x1  }
0x25: {  	v1 =	vld.idx.msk [tilespmem:v1+s12+$0x0], $0xffff;
	_ =	sdelay $0x2  }
0x26: {  	[tilespmem:s21+$0x10] =	vst v0  }
0x27: {  	v0 =	vld [tilespmem:s29+$0x20]  }
0x28: {  	[tilespmem:s21+$0xFFFFFF90] =	vst v1;
	v1 =	vld.idx.msk [tilespmem:v2+s12+$0x0], $0xffff  }
0x29: {  	v3 =	vld [tilespmem:s23+$0xFFFFFF80];
	_ =	sdelay $0x1  }
0x2a: {  	v2 =	vld [tilespmem:s29+$0xFFFFFFA0]  }
0x2b: {  	s22 =	simm.s32 $0x6580  }
0x2c: {  	[tilespmem:s22+$0x0] =	vst v1  }
0x2d: {  	v1 =	vld [tilespmem:s23+$0x10]  }
0x2e: {  	v0 =	vld.idx.msk [tilespmem:v0+s12+$0x0], $0xffff;
	_ =	sdelay $0x1  }
0x2f: {  	v3 =	vld.idx.msk [tilespmem:v3+s12+$0x0], $0xffff;
	_ =	sdelay $0x1  }
0x30: {  	v2 =	vld.idx.msk [tilespmem:v2+s12+$0x0], $0xffff  }
0x31: {  	[tilespmem:s21+$0x20] =	vst v0  }
0x32: {  	v0 =	vld [tilespmem:s29+$0x30]  }
0x33: {  	[tilespmem:s22+$0xFFFFFF80] =	vst v3;
	v1 =	vld.idx.msk [tilespmem:v1+s12+$0x0], $0xffff  }
0x34: {  	v3 =	vld [tilespmem:s23+$0xFFFFFF90]  }
0x35: {  	[tilespmem:s21+$0xFFFFFFA0] =	vst v2  }
0x36: {  	v2 =	vld [tilespmem:s29+$0xFFFFFFB0];
	_ =	sdelay $0x1  }
0x37: {  	[tilespmem:s22+$0x10] =	vst v1  }
0x38: {  	v1 =	vld [tilespmem:s23+$0x20]  }
0x39: {  	s24 =	simm.s32 $0x280;
	v0 =	vld.idx.msk [tilespmem:v0+s12+$0x0], $0xffff  }
0x3a: {  	v4 =	vld [tilespmem:s24+$0x0]  }
0x3b: {  	v3 =	vld.idx.msk [tilespmem:v3+s12+$0x0], $0xffff  }
0x3c: {  	v5 =	vld [tilespmem:s24+$0xFFFFFF80]  }
0x3d: {  	v2 =	vld.idx.msk [tilespmem:v2+s12+$0x0], $0xffff  }
0x3e: {  	[tilespmem:s21+$0x30] =	vst v0  }
0x3f: {  	v0 =	vld [tilespmem:s29+$0x40]  }
0x40: {  	[tilespmem:s22+$0xFFFFFF90] =	vst v3;
	v1 =	vld.idx.msk [tilespmem:v1+s12+$0x0], $0xffff  }
0x41: {  	v3 =	vld [tilespmem:s23+$0xFFFFFFA0]  }
0x42: {  	v4 =	vld.idx.msk [tilespmem:v4+s12+$0x0], $0xffff;
	[tilespmem:s21+$0xFFFFFFB0] =	vst v2  }
0x43: {  	v2 =	vld [tilespmem:s29+$0xFFFFFFC0]  }
0x44: {  	s26 =	simm.s32 $0x380;
	v5 =	vld.idx.msk [tilespmem:v5+s12+$0x0], $0xffff  }
0x45: {  	v6 =	vld [tilespmem:s26+$0x0];
	[tilespmem:s22+$0x20] =	vst v1  }
0x46: {  	s25 =	simm.s32 $0x6680;
	v1 =	vld [tilespmem:s23+$0x30]  }
0x47: {  	[tilespmem:s25+$0x0] =	vst v4;
	v0 =	vld.idx.msk [tilespmem:v0+s12+$0x0], $0xffff  }
0x48: {  	v4 =	vld [tilespmem:s24+$0x10]  }
0x49: {  	[tilespmem:s25+$0xFFFFFF80] =	vst v5;
	v3 =	vld.idx.msk [tilespmem:v3+s12+$0x0], $0xffff  }
0x4a: {  	v5 =	vld [tilespmem:s24+$0xFFFFFF90]  }
0x4b: {  	v2 =	vld.idx.msk [tilespmem:v2+s12+$0x0], $0xffff  }
0x4c: {  	v7 =	vld [tilespmem:s26+$0xFFFFFF80];
	[tilespmem:s21+$0x40] =	vst v0  }
0x4d: {  	v0 =	vld [tilespmem:s29+$0x50]  }
0x4e: {  	[tilespmem:s22+$0xFFFFFFA0] =	vst v3;
	v1 =	vld.idx.msk [tilespmem:v1+s12+$0x0], $0xffff  }
0x4f: {  	v3 =	vld [tilespmem:s23+$0xFFFFFFB0]  }
0x50: {  	v4 =	vld.idx.msk [tilespmem:v4+s12+$0x0], $0xffff;
	[tilespmem:s21+$0xFFFFFFC0] =	vst v2  }
0x51: {  	v2 =	vld [tilespmem:s29+$0xFFFFFFD0]  }
0x52: {  	v5 =	vld.idx.msk [tilespmem:v5+s12+$0x0], $0xffff  }
0x53: {  	v6 =	vld.idx.msk [tilespmem:v6+s12+$0x0], $0xffff;
	[tilespmem:s22+$0x30] =	vst v1  }
0x54: {  	v1 =	vld [tilespmem:s23+$0x40]  }
0x55: {  	[tilespmem:s25+$0x10] =	vst v4;
	v0 =	vld.idx.msk [tilespmem:v0+s12+$0x0], $0xffff  }
0x56: {  	v4 =	vld [tilespmem:s24+$0x20]  }
0x57: {  	[tilespmem:s25+$0xFFFFFF90] =	vst v5;
	v3 =	vld.idx.msk [tilespmem:v3+s12+$0x0], $0xffff  }
0x58: {  	v5 =	vld [tilespmem:s24+$0xFFFFFFA0]  }
0x59: {  	v2 =	vld.idx.msk [tilespmem:v2+s12+$0x0], $0xffff  }
0x5a: {  	v7 =	vld.idx.msk [tilespmem:v7+s12+$0x0], $0xffff;
	[tilespmem:s21+$0x50] =	vst v0  }
0x5b: {  	v0 =	vld [tilespmem:s29+$0x60]  }
0x5c: {  	s28 =	simm.s32 $0x6780;
	[tilespmem:s22+$0xFFFFFFB0] =	vst v3;
	v1 =	vld.idx.msk [tilespmem:v1+s12+$0x0], $0xffff  }
0x5d: {  	[tilespmem:s28+$0x0] =	vst v6;
	v3 =	vld [tilespmem:s23+$0xFFFFFFC0]  }
0x5e: {  	[tilespmem:s21+$0xFFFFFFD0] =	vst v2;
	v2 =	vld.idx.msk [tilespmem:v4+s12+$0x0], $0xffff  }
0x5f: {  	v6 =	vld [tilespmem:s26+$0x10]  }
0x60: {  	v4 =	vld [tilespmem:s29+$0xFFFFFFE0]  }
0x61: {  	v5 =	vld.idx.msk [tilespmem:v5+s12+$0x0], $0xffff;
	[tilespmem:s22+$0x40] =	vst v1  }
0x62: {  	v1 =	vld [tilespmem:s23+$0x50]  }
0x63: {  	[tilespmem:s25+$0x20] =	vst v2;
	v0 =	vld.idx.msk [tilespmem:v0+s12+$0x0], $0xffff  }
0x64: {  	v2 =	vld [tilespmem:s24+$0x30]  }
0x65: {  	[tilespmem:s28+$0xFFFFFF80] =	vst v7;
	v3 =	vld.idx.msk [tilespmem:v3+s12+$0x0], $0xffff  }
0x66: {  	v8 =	vld [tilespmem:s26+$0xFFFFFF90];
	[tilespmem:s25+$0xFFFFFFA0] =	vst v5  }
0x67: {  	v9 =	vld [tilespmem:s24+$0xFFFFFFB0]  }
0x68: {  	v4 =	vld.idx.msk [tilespmem:v4+s12+$0x0], $0xffff;
	[tilespmem:s21+$0x60] =	vst v0  }
0x69: {  	v0 =	vld [tilespmem:s29+$0x70]  }
0x6a: {  	[tilespmem:s22+$0xFFFFFFC0] =	vst v3;
	v1 =	vld.idx.msk [tilespmem:v1+s12+$0x0], $0xffff  }
0x6b: {  	v10 =	vld [tilespmem:s23+$0xFFFFFFD0]  }
0x6c: {  	v2 =	vld.idx.msk [tilespmem:v2+s12+$0x0], $0xffff  }
0x6d: {  	[tilespmem:s21+$0xFFFFFFE0] =	vst v4;
	v4 =	vld.idx.msk [tilespmem:v6+s12+$0x0], $0xffff;
	_ =	sdelay $0x1  }
0x6e: {  	v5 =	vld.idx.msk [tilespmem:v8+s12+$0x0], $0xffff;
	[tilespmem:s22+$0x50] =	vst v1  }
0x6f: {  	v1 =	vld [tilespmem:s23+$0x60]  }
0x70: {  	[tilespmem:s25+$0x30] =	vst v2;
	v7 =	vld.idx.msk [tilespmem:v0+s12+$0x0], $0xffff  }
0x71: {  	[tilespmem:s28+$0x10] =	vst v4;
	v4 =	vld.idx.msk [tilespmem:v9+s12+$0x0], $0xffff  }
0x72: {  	v3 =	vld [tilespmem:s24+$0x40]  }
0x73: {  	v2 =	vld.idx.msk [tilespmem:v10+s12+$0x0], $0xffff  }
0x74: {  	v6 =	vld [tilespmem:s26+$0x20]  }
0x75: {  	s30 =	simm.s32 $0x480;
	v0 =	vld [tilespmem:s29+$0xFFFFFFF0];
	s29 =	simm.s32 $0x6;
	[tilespmem:s21+$0x70] =	vst v7  }
.LBB2_2:
0x76: {  	v7 =	vld [tilespmem:s30+$0x0];
	s29 =	sadd.s32 $0x2, s29;
	s31 =	smov.u32 s25;
	s25 =	smov.u32 s28  }
0x77: {  	v8 =	vld [tilespmem:s30+$0xFFFFFF80];
	p0 =	slt.u32 s29, $0x5E;
	[tilespmem:s28+$0xFFFFFF90] =	vst v5  }
0x78: {  	v1 =	vld.idx.msk [tilespmem:v1+s12+$0x0], $0xffff  }
0x79: {  	v5 =	vld [tilespmem:s26+$0xFFFFFFA0];
	[tilespmem:s31+$0xFFFFFFB0] =	vst v4  }
0x7a: {  	v3 =	vld.idx.msk [tilespmem:v3+s12+$0x0], $0xffff  }
0x7b: {  	v4 =	vld [tilespmem:s24+$0xFFFFFFC0];
	[tilespmem:s22+$0xFFFFFFD0] =	vst v2  }
0x7c: {  	v2 =	vld.idx.msk [tilespmem:v6+s12+$0x0], $0xffff  }
0x7d: {  	v6 =	vld [tilespmem:s23+$0xFFFFFFE0]  }
0x7e: {  	v7 =	vld.idx.msk [tilespmem:v7+s12+$0x0], $0xffff;
	[tilespmem:s22+$0x60] =	vst v1  }
0x7f: {  	v1 =	vld [tilespmem:s23+$0x70]  }
0x80: {  	v8 =	vld.idx.msk [tilespmem:v8+s12+$0x0], $0xffff;
	[tilespmem:s31+$0x40] =	vst v3  }
0x81: {  	v3 =	vld [tilespmem:s24+$0x50]  }
0x82: {  	v5 =	vld.idx.msk [tilespmem:v5+s12+$0x0], $0xffff;
	[tilespmem:s28+$0x20] =	vst v2  }
0x83: {  	s28 =	sadd.s32 $0x100, s28;
	v2 =	vld [tilespmem:s26+$0x30]  }
0x84: {  	[tilespmem:s28+$0x0] =	vst v7;
	v4 =	vld.idx.msk [tilespmem:v4+s12+$0x0], $0xffff  }
0x85: {  	v7 =	vld [tilespmem:s30+$0x10]  }
0x86: {  	[tilespmem:s28+$0xFFFFFF80] =	vst v8;
	v6 =	vld.idx.msk [tilespmem:v6+s12+$0x0], $0xffff  }
0x87: {  	v1 =	vld.idx.msk [tilespmem:v1+s12+$0x0], $0xffff  }
0x88: {  	v8 =	vld [tilespmem:s30+$0xFFFFFF90];
	[tilespmem:s25+$0xFFFFFFA0] =	vst v5  }
0x89: {  	v3 =	vld.idx.msk [tilespmem:v3+s12+$0x0], $0xffff  }
0x8a: {  	v9 =	vld [tilespmem:s26+$0xFFFFFFB0];
	[tilespmem:s31+$0xFFFFFFC0] =	vst v4  }
0x8b: {  	v2 =	vld.idx.msk [tilespmem:v2+s12+$0x0], $0xffff  }
0x8c: {  	v10 =	vld [tilespmem:s24+$0xFFFFFFD0];
	[tilespmem:s22+$0xFFFFFFE0] =	vst v6  }
0x8d: {  	v4 =	vld.idx.msk [tilespmem:v7+s12+$0x0], $0xffff;
	[tilespmem:s22+$0x70] =	vst v1  }
0x8e: {  	v6 =	vld [tilespmem:s23+$0xFFFFFFF0];
	s23 =	smov.u32 s24;
	s24 =	smov.u32 s26;
	s26 =	smov.u32 s30  }
0x8f: {  	[tilespmem:s31+$0x50] =	vst v3;
	v7 =	vld.idx.msk [tilespmem:v0+s12+$0x0], $0xffff  }
0x90: {  	v1 =	vld [tilespmem:s23+$0x60]  }
.Ltmp0:
0x91: {  	v5 =	vld.idx.msk [tilespmem:v8+s12+$0x0], $0xffff;
	[tilespmem:s25+$0x30] =	vst v2;
	(pc) =	sbr.rel @p0 .LBB2_2-.Ltmp0, $4  }
0x92: {  	v3 =	vld [tilespmem:s24+$0x40]  }
0x93: {  	[tilespmem:s28+$0x10] =	vst v4;
	v4 =	vld.idx.msk [tilespmem:v9+s12+$0x0], $0xffff;
	v0 =	vmov v6  }
0x94: {  	v6 =	vld [tilespmem:s30+$0x20]  }
0x95: {  	s30 =	sadd.s32 $0x100, s30;
	v2 =	vld.idx.msk [tilespmem:v10+s12+$0x0], $0xffff;
	[tilespmem:s21+$0xFFFFFFF0] =	vst v7;
	s21 =	smov.u32 s22;
	s22 =	smov.u32 s31  }
0x96: {  	[tilespmem:s28+$0xFFFFFF90] =	vst v5  }
0x97: {  	v5 =	vld [tilespmem:s26+$0xFFFFFFA0];
	_ =	sdelay $0x6  }
0x98: {  	v6 =	vld.idx.msk [tilespmem:v6+s12+$0x0], $0xffff  }
0x99: {  	v5 =	vld.idx.msk [tilespmem:v5+s12+$0x0], $0xffff;
	_ =	sdelay $0x3  }
0x9a: {  	[tilespmem:s28+$0x20] =	vst v6  }
0x9b: {  	v6 =	vld [tilespmem:s26+$0x30];
	[tilespmem:s28+$0xFFFFFFA0] =	vst v5  }
0x9c: {  	v5 =	vld [tilespmem:s26+$0xFFFFFFB0];
	_ =	sdelay $0x6  }
0x9d: {  	v6 =	vld.idx.msk [tilespmem:v6+s12+$0x0], $0xffff  }
0x9e: {  	v5 =	vld.idx.msk [tilespmem:v5+s12+$0x0], $0xffff;
	_ =	sdelay $0x2  }
0x9f: {  	[tilespmem:s25+$0xFFFFFFB0] =	vst v4  }
0xa0: {  	[tilespmem:s28+$0x30] =	vst v6;
	v6 =	vld [tilespmem:s24+$0xFFFFFFC0]  }
0xa1: {  	v4 =	vld [tilespmem:s26+$0x40];
	[tilespmem:s28+$0xFFFFFFB0] =	vst v5  }
0xa2: {  	v5 =	vld [tilespmem:s26+$0xFFFFFFC0];
	_ =	sdelay $0x4  }
0xa3: {  	v3 =	vld.idx.msk [tilespmem:v3+s12+$0x0], $0xffff  }
0xa4: {  	v6 =	vld.idx.msk [tilespmem:v6+s12+$0x0], $0xffff  }
0xa5: {  	v4 =	vld.idx.msk [tilespmem:v4+s12+$0x0], $0xffff  }
0xa6: {  	v5 =	vld.idx.msk [tilespmem:v5+s12+$0x0], $0xffff;
	_ =	sdelay $0x1  }
0xa7: {  	[tilespmem:s25+$0x40] =	vst v3  }
0xa8: {  	v3 =	vld [tilespmem:s24+$0x50];
	[tilespmem:s25+$0xFFFFFFC0] =	vst v6  }
0xa9: {  	[tilespmem:s28+$0x40] =	vst v4;
	v6 =	vld [tilespmem:s24+$0xFFFFFFD0]  }
0xaa: {  	v4 =	vld [tilespmem:s26+$0x50];
	[tilespmem:s28+$0xFFFFFFC0] =	vst v5  }
0xab: {  	v5 =	vld [tilespmem:s26+$0xFFFFFFD0];
	_ =	sdelay $0x4  }
0xac: {  	v3 =	vld.idx.msk [tilespmem:v3+s12+$0x0], $0xffff  }
0xad: {  	v6 =	vld.idx.msk [tilespmem:v6+s12+$0x0], $0xffff  }
0xae: {  	v4 =	vld.idx.msk [tilespmem:v4+s12+$0x0], $0xffff  }
0xaf: {  	v5 =	vld.idx.msk [tilespmem:v5+s12+$0x0], $0xffff  }
0xb0: {  	v1 =	vld.idx.msk [tilespmem:v1+s12+$0x0], $0xffff;
	[tilespmem:s22+$0xFFFFFFD0] =	vst v2  }
0xb1: {  	[tilespmem:s25+$0x50] =	vst v3;
	v3 =	vld [tilespmem:s23+$0xFFFFFFE0]  }
0xb2: {  	v2 =	vld [tilespmem:s24+$0x60];
	[tilespmem:s25+$0xFFFFFFD0] =	vst v6  }
0xb3: {  	[tilespmem:s28+$0x50] =	vst v4;
	v6 =	vld [tilespmem:s24+$0xFFFFFFE0]  }
0xb4: {  	v4 =	vld [tilespmem:s26+$0x60];
	[tilespmem:s28+$0xFFFFFFD0] =	vst v5  }
0xb5: {  	v5 =	vld [tilespmem:s26+$0xFFFFFFE0];
	_ =	sdelay $0x1  }
0xb6: {  	[tilespmem:s22+$0x60] =	vst v1  }
0xb7: {  	v1 =	vld [tilespmem:s23+$0x70]  }
0xb8: {  	v3 =	vld.idx.msk [tilespmem:v3+s12+$0x0], $0xffff  }
0xb9: {  	v2 =	vld.idx.msk [tilespmem:v2+s12+$0x0], $0xffff  }
0xba: {  	v6 =	vld.idx.msk [tilespmem:v6+s12+$0x0], $0xffff  }
0xbb: {  	v4 =	vld.idx.msk [tilespmem:v4+s12+$0x0], $0xffff  }
0xbc: {  	v5 =	vld.idx.msk [tilespmem:v5+s12+$0x0], $0xffff  }
0xbd: {  	[tilespmem:s22+$0xFFFFFFE0] =	vst v3  }
0xbe: {  	[tilespmem:s25+$0x60] =	vst v2;
	v3 =	vld [tilespmem:s23+$0xFFFFFFF0]  }
0xbf: {  	v2 =	vld [tilespmem:s24+$0x70];
	[tilespmem:s25+$0xFFFFFFE0] =	vst v6  }
0xc0: {  	[tilespmem:s28+$0x60] =	vst v4;
	v6 =	vld [tilespmem:s24+$0xFFFFFFF0]  }
0xc1: {  	v4 =	vld [tilespmem:s26+$0x70];
	[tilespmem:s28+$0xFFFFFFE0] =	vst v5  }
0xc2: {  	v5 =	vld [tilespmem:s26+$0xFFFFFFF0]  }
0xc3: {  	v1 =	vld.idx.msk [tilespmem:v1+s12+$0x0], $0xffff;
	_ =	sdelay $0x1  }
0xc4: {  	v0 =	vld.idx.msk [tilespmem:v0+s12+$0x0], $0xffff  }
0xc5: {  	v3 =	vld.idx.msk [tilespmem:v3+s12+$0x0], $0xffff  }
0xc6: {  	v2 =	vld.idx.msk [tilespmem:v2+s12+$0x0], $0xffff  }
0xc7: {  	[tilespmem:s22+$0x70] =	vst v1;
	v1 =	vld.idx.msk [tilespmem:v6+s12+$0x0], $0xffff  }
0xc8: {  	v4 =	vld.idx.msk [tilespmem:v4+s12+$0x0], $0xffff  }
0xc9: {  	[tilespmem:s21+$0xFFFFFFF0] =	vst v0;
	v0 =	vld.idx.msk [tilespmem:v5+s12+$0x0], $0xffff  }
0xca: {  	[tilespmem:s22+$0xFFFFFFF0] =	vst v3  }
0xcb: {  	[tilespmem:s25+$0x70] =	vst v2  }
0xcc: {  	[tilespmem:s25+$0xFFFFFFF0] =	vst v1  }
0xcd: {  	[tilespmem:s28+$0x70] =	vst v4  }
0xce: {  	[tilespmem:s28+$0xFFFFFFF0] =	vst v0  }
0xcf: {  	[hbm4b:s6+s9] =	stream.strided.scatter [tilespmem:s15], [sflag:$0x3], $0x3000, s10, s9, $0x38;
	[tilespmem:$0xC900] =	vst v63  }
0xd0: {  	_ =	swait.ge [sflag:s16], $0x3400  }
0xd1: {  	[sflag:s16] =	ssyncset.done $0x0  }
0xd2: {  	s29 =	simm.s32 $0x30F0;
	[sflag:s16] =	ssyncadd.s32 $0xFFFFCC00  }
0xd3: {  	v0 =	vld [tilespmem:s29+$0xFFFFFF90];
	_ =	sdelay $0x1  }
0xd4: {  	v1 =	vld [tilespmem:s29+$0xFFFFFF10];
	_ =	sdelay $0x5  }
0xd5: {  	v0 =	vld.idx.msk [tilespmem:v0+s12+$0x0], $0xffff;
	_ =	sdelay $0x1  }
0xd6: {  	v1 =	vld.idx.msk [tilespmem:v1+s12+$0x0], $0xffff;
	_ =	sdelay $0x1  }
0xd7: {  	s21 =	simm.s32 $0x94F0  }
0xd8: {  	[tilespmem:s21+$0xFFFFFF90] =	vst v0  }
0xd9: {  	v0 =	vld [tilespmem:s29+$0xFFFFFFA0]  }
0xda: {  	[tilespmem:s21+$0xFFFFFF10] =	vst v1  }
0xdb: {  	v1 =	vld [tilespmem:s29+$0xFFFFFF20];
	_ =	sdelay $0x3  }
0xdc: {  	s23 =	simm.s32 $0x31F0  }
0xdd: {  	v2 =	vld [tilespmem:s23+$0xFFFFFF90]  }
0xde: {  	v0 =	vld.idx.msk [tilespmem:v0+s12+$0x0], $0xffff;
	_ =	sdelay $0x1  }
0xdf: {  	v1 =	vld.idx.msk [tilespmem:v1+s12+$0x0], $0xffff;
	_ =	sdelay $0x2  }
0xe0: {  	[tilespmem:s21+$0xFFFFFFA0] =	vst v0  }
0xe1: {  	v0 =	vld [tilespmem:s29+$0xFFFFFFB0]  }
0xe2: {  	[tilespmem:s21+$0xFFFFFF20] =	vst v1;
	v1 =	vld.idx.msk [tilespmem:v2+s12+$0x0], $0xffff  }
0xe3: {  	v3 =	vld [tilespmem:s23+$0xFFFFFF10];
	_ =	sdelay $0x1  }
0xe4: {  	v2 =	vld [tilespmem:s29+$0xFFFFFF30]  }
0xe5: {  	s22 =	simm.s32 $0x95F0  }
0xe6: {  	[tilespmem:s22+$0xFFFFFF90] =	vst v1  }
0xe7: {  	v1 =	vld [tilespmem:s23+$0xFFFFFFA0]  }
0xe8: {  	v0 =	vld.idx.msk [tilespmem:v0+s12+$0x0], $0xffff;
	_ =	sdelay $0x1  }
0xe9: {  	v3 =	vld.idx.msk [tilespmem:v3+s12+$0x0], $0xffff;
	_ =	sdelay $0x1  }
0xea: {  	v2 =	vld.idx.msk [tilespmem:v2+s12+$0x0], $0xffff  }
0xeb: {  	[tilespmem:s21+$0xFFFFFFB0] =	vst v0  }
0xec: {  	v0 =	vld [tilespmem:s29+$0xFFFFFFC0]  }
0xed: {  	[tilespmem:s22+$0xFFFFFF10] =	vst v3;
	v1 =	vld.idx.msk [tilespmem:v1+s12+$0x0], $0xffff  }
0xee: {  	v3 =	vld [tilespmem:s23+$0xFFFFFF20]  }
0xef: {  	[tilespmem:s21+$0xFFFFFF30] =	vst v2  }
0xf0: {  	v2 =	vld [tilespmem:s29+$0xFFFFFF40];
	_ =	sdelay $0x1  }
0xf1: {  	[tilespmem:s22+$0xFFFFFFA0] =	vst v1  }
0xf2: {  	v1 =	vld [tilespmem:s23+$0xFFFFFFB0]  }
0xf3: {  	s24 =	simm.s32 $0x32F0;
	v0 =	vld.idx.msk [tilespmem:v0+s12+$0x0], $0xffff  }
0xf4: {  	v4 =	vld [tilespmem:s24+$0xFFFFFF90]  }
0xf5: {  	v3 =	vld.idx.msk [tilespmem:v3+s12+$0x0], $0xffff  }
0xf6: {  	v5 =	vld [tilespmem:s24+$0xFFFFFF10]  }
0xf7: {  	v2 =	vld.idx.msk [tilespmem:v2+s12+$0x0], $0xffff  }
0xf8: {  	[tilespmem:s21+$0xFFFFFFC0] =	vst v0  }
0xf9: {  	v0 =	vld [tilespmem:s29+$0xFFFFFFD0]  }
0xfa: {  	[tilespmem:s22+$0xFFFFFF20] =	vst v3;
	v1 =	vld.idx.msk [tilespmem:v1+s12+$0x0], $0xffff  }
0xfb: {  	v3 =	vld [tilespmem:s23+$0xFFFFFF30]  }
0xfc: {  	v4 =	vld.idx.msk [tilespmem:v4+s12+$0x0], $0xffff;
	[tilespmem:s21+$0xFFFFFF40] =	vst v2  }
0xfd: {  	v2 =	vld [tilespmem:s29+$0xFFFFFF50]  }
0xfe: {  	s26 =	simm.s32 $0x33F0;
	v5 =	vld.idx.msk [tilespmem:v5+s12+$0x0], $0xffff  }
0xff: {  	v6 =	vld [tilespmem:s26+$0xFFFFFF90];
	[tilespmem:s22+$0xFFFFFFB0] =	vst v1  }
0x100: {  	s25 =	simm.s32 $0x96F0;
	v1 =	vld [tilespmem:s23+$0xFFFFFFC0]  }
0x101: {  	[tilespmem:s25+$0xFFFFFF90] =	vst v4;
	v0 =	vld.idx.msk [tilespmem:v0+s12+$0x0], $0xffff  }
0x102: {  	v4 =	vld [tilespmem:s24+$0xFFFFFFA0]  }
0x103: {  	[tilespmem:s25+$0xFFFFFF10] =	vst v5;
	v3 =	vld.idx.msk [tilespmem:v3+s12+$0x0], $0xffff  }
0x104: {  	v5 =	vld [tilespmem:s24+$0xFFFFFF20]  }
0x105: {  	v2 =	vld.idx.msk [tilespmem:v2+s12+$0x0], $0xffff  }
0x106: {  	v7 =	vld [tilespmem:s26+$0xFFFFFF10];
	[tilespmem:s21+$0xFFFFFFD0] =	vst v0  }
0x107: {  	v0 =	vld [tilespmem:s29+$0xFFFFFFE0]  }
0x108: {  	[tilespmem:s22+$0xFFFFFF30] =	vst v3;
	v1 =	vld.idx.msk [tilespmem:v1+s12+$0x0], $0xffff  }
0x109: {  	v3 =	vld [tilespmem:s23+$0xFFFFFF40]  }
0x10a: {  	v4 =	vld.idx.msk [tilespmem:v4+s12+$0x0], $0xffff;
	[tilespmem:s21+$0xFFFFFF50] =	vst v2  }
0x10b: {  	v2 =	vld [tilespmem:s29+$0xFFFFFF60]  }
0x10c: {  	v5 =	vld.idx.msk [tilespmem:v5+s12+$0x0], $0xffff  }
0x10d: {  	v6 =	vld.idx.msk [tilespmem:v6+s12+$0x0], $0xffff;
	[tilespmem:s22+$0xFFFFFFC0] =	vst v1  }
0x10e: {  	v1 =	vld [tilespmem:s23+$0xFFFFFFD0]  }
0x10f: {  	[tilespmem:s25+$0xFFFFFFA0] =	vst v4;
	v0 =	vld.idx.msk [tilespmem:v0+s12+$0x0], $0xffff  }
0x110: {  	v4 =	vld [tilespmem:s24+$0xFFFFFFB0]  }
0x111: {  	[tilespmem:s25+$0xFFFFFF20] =	vst v5;
	v3 =	vld.idx.msk [tilespmem:v3+s12+$0x0], $0xffff  }
0x112: {  	v5 =	vld [tilespmem:s24+$0xFFFFFF30]  }
0x113: {  	v2 =	vld.idx.msk [tilespmem:v2+s12+$0x0], $0xffff  }
0x114: {  	v7 =	vld.idx.msk [tilespmem:v7+s12+$0x0], $0xffff;
	[tilespmem:s21+$0xFFFFFFE0] =	vst v0  }
0x115: {  	v0 =	vld [tilespmem:s29+$0xFFFFFFF0]  }
0x116: {  	s28 =	simm.s32 $0x97F0;
	[tilespmem:s22+$0xFFFFFF40] =	vst v3;
	v1 =	vld.idx.msk [tilespmem:v1+s12+$0x0], $0xffff  }
0x117: {  	[tilespmem:s28+$0xFFFFFF90] =	vst v6;
	v3 =	vld [tilespmem:s23+$0xFFFFFF50]  }
0x118: {  	[tilespmem:s21+$0xFFFFFF60] =	vst v2;
	v2 =	vld.idx.msk [tilespmem:v4+s12+$0x0], $0xffff  }
0x119: {  	v6 =	vld [tilespmem:s26+$0xFFFFFFA0]  }
0x11a: {  	v4 =	vld [tilespmem:s29+$0xFFFFFF70]  }
0x11b: {  	v5 =	vld.idx.msk [tilespmem:v5+s12+$0x0], $0xffff;
	[tilespmem:s22+$0xFFFFFFD0] =	vst v1  }
0x11c: {  	v1 =	vld [tilespmem:s23+$0xFFFFFFE0]  }
0x11d: {  	[tilespmem:s25+$0xFFFFFFB0] =	vst v2;
	v0 =	vld.idx.msk [tilespmem:v0+s12+$0x0], $0xffff  }
0x11e: {  	v2 =	vld [tilespmem:s24+$0xFFFFFFC0]  }
0x11f: {  	[tilespmem:s28+$0xFFFFFF10] =	vst v7;
	v3 =	vld.idx.msk [tilespmem:v3+s12+$0x0], $0xffff  }
0x120: {  	v8 =	vld [tilespmem:s26+$0xFFFFFF20];
	[tilespmem:s25+$0xFFFFFF30] =	vst v5  }
0x121: {  	v9 =	vld [tilespmem:s24+$0xFFFFFF40]  }
0x122: {  	v4 =	vld.idx.msk [tilespmem:v4+s12+$0x0], $0xffff;
	[tilespmem:s21+$0xFFFFFFF0] =	vst v0  }
0x123: {  	v0 =	vld [tilespmem:s29+$0x0]  }
0x124: {  	[tilespmem:s22+$0xFFFFFF50] =	vst v3;
	v1 =	vld.idx.msk [tilespmem:v1+s12+$0x0], $0xffff  }
0x125: {  	v10 =	vld [tilespmem:s23+$0xFFFFFF60]  }
0x126: {  	v2 =	vld.idx.msk [tilespmem:v2+s12+$0x0], $0xffff  }
0x127: {  	[tilespmem:s21+$0xFFFFFF70] =	vst v4;
	v4 =	vld.idx.msk [tilespmem:v6+s12+$0x0], $0xffff;
	_ =	sdelay $0x1  }
0x128: {  	v5 =	vld.idx.msk [tilespmem:v8+s12+$0x0], $0xffff;
	[tilespmem:s22+$0xFFFFFFE0] =	vst v1  }
0x129: {  	v1 =	vld [tilespmem:s23+$0xFFFFFFF0]  }
0x12a: {  	[tilespmem:s25+$0xFFFFFFC0] =	vst v2;
	v7 =	vld.idx.msk [tilespmem:v0+s12+$0x0], $0xffff  }
0x12b: {  	[tilespmem:s28+$0xFFFFFFA0] =	vst v4;
	v4 =	vld.idx.msk [tilespmem:v9+s12+$0x0], $0xffff  }
0x12c: {  	v3 =	vld [tilespmem:s24+$0xFFFFFFD0]  }
0x12d: {  	v2 =	vld.idx.msk [tilespmem:v10+s12+$0x0], $0xffff  }
0x12e: {  	v6 =	vld [tilespmem:s26+$0xFFFFFFB0]  }
0x12f: {  	s30 =	simm.s32 $0x34F0;
	v0 =	vld [tilespmem:s29+$0xFFFFFF80];
	s29 =	simm.s32 $0x66;
	[tilespmem:s21+$0x0] =	vst v7  }
.LBB2_4:
0x130: {  	v7 =	vld [tilespmem:s30+$0xFFFFFF90];
	s29 =	sadd.s32 $0x2, s29;
	s31 =	smov.u32 s25;
	s25 =	smov.u32 s28  }
0x131: {  	v8 =	vld [tilespmem:s30+$0xFFFFFF10];
	p0 =	slt.u32 s29, $0xC6;
	[tilespmem:s28+$0xFFFFFF20] =	vst v5  }
0x132: {  	v1 =	vld.idx.msk [tilespmem:v1+s12+$0x0], $0xffff  }
0x133: {  	v5 =	vld [tilespmem:s26+$0xFFFFFF30];
	[tilespmem:s31+$0xFFFFFF40] =	vst v4  }
0x134: {  	v3 =	vld.idx.msk [tilespmem:v3+s12+$0x0], $0xffff  }
0x135: {  	v4 =	vld [tilespmem:s24+$0xFFFFFF50];
	[tilespmem:s22+$0xFFFFFF60] =	vst v2  }
0x136: {  	v2 =	vld.idx.msk [tilespmem:v6+s12+$0x0], $0xffff  }
0x137: {  	v6 =	vld [tilespmem:s23+$0xFFFFFF70]  }
0x138: {  	v7 =	vld.idx.msk [tilespmem:v7+s12+$0x0], $0xffff;
	[tilespmem:s22+$0xFFFFFFF0] =	vst v1  }
0x139: {  	v1 =	vld [tilespmem:s23+$0x0]  }
0x13a: {  	v8 =	vld.idx.msk [tilespmem:v8+s12+$0x0], $0xffff;
	[tilespmem:s31+$0xFFFFFFD0] =	vst v3  }
0x13b: {  	v3 =	vld [tilespmem:s24+$0xFFFFFFE0]  }
0x13c: {  	v5 =	vld.idx.msk [tilespmem:v5+s12+$0x0], $0xffff;
	[tilespmem:s28+$0xFFFFFFB0] =	vst v2  }
0x13d: {  	s28 =	sadd.s32 $0x100, s28;
	v2 =	vld [tilespmem:s26+$0xFFFFFFC0]  }
0x13e: {  	[tilespmem:s28+$0xFFFFFF90] =	vst v7;
	v4 =	vld.idx.msk [tilespmem:v4+s12+$0x0], $0xffff  }
0x13f: {  	v7 =	vld [tilespmem:s30+$0xFFFFFFA0]  }
0x140: {  	[tilespmem:s28+$0xFFFFFF10] =	vst v8;
	v6 =	vld.idx.msk [tilespmem:v6+s12+$0x0], $0xffff  }
0x141: {  	v1 =	vld.idx.msk [tilespmem:v1+s12+$0x0], $0xffff  }
0x142: {  	v8 =	vld [tilespmem:s30+$0xFFFFFF20];
	[tilespmem:s25+$0xFFFFFF30] =	vst v5  }
0x143: {  	v3 =	vld.idx.msk [tilespmem:v3+s12+$0x0], $0xffff  }
0x144: {  	v9 =	vld [tilespmem:s26+$0xFFFFFF40];
	[tilespmem:s31+$0xFFFFFF50] =	vst v4  }
0x145: {  	v2 =	vld.idx.msk [tilespmem:v2+s12+$0x0], $0xffff  }
0x146: {  	v10 =	vld [tilespmem:s24+$0xFFFFFF60];
	[tilespmem:s22+$0xFFFFFF70] =	vst v6  }
0x147: {  	v4 =	vld.idx.msk [tilespmem:v7+s12+$0x0], $0xffff;
	[tilespmem:s22+$0x0] =	vst v1  }
0x148: {  	v6 =	vld [tilespmem:s23+$0xFFFFFF80];
	s23 =	smov.u32 s24;
	s24 =	smov.u32 s26;
	s26 =	smov.u32 s30  }
0x149: {  	[tilespmem:s31+$0xFFFFFFE0] =	vst v3;
	v7 =	vld.idx.msk [tilespmem:v0+s12+$0x0], $0xffff  }
0x14a: {  	v1 =	vld [tilespmem:s23+$0xFFFFFFF0]  }
.Ltmp1:
0x14b: {  	v5 =	vld.idx.msk [tilespmem:v8+s12+$0x0], $0xffff;
	[tilespmem:s25+$0xFFFFFFC0] =	vst v2;
	(pc) =	sbr.rel @p0 .LBB2_4-.Ltmp1, $4  }
0x14c: {  	v3 =	vld [tilespmem:s24+$0xFFFFFFD0]  }
0x14d: {  	[tilespmem:s28+$0xFFFFFFA0] =	vst v4;
	v4 =	vld.idx.msk [tilespmem:v9+s12+$0x0], $0xffff;
	v0 =	vmov v6  }
0x14e: {  	v6 =	vld [tilespmem:s30+$0xFFFFFFB0]  }
0x14f: {  	s30 =	sadd.s32 $0x100, s30;
	v2 =	vld.idx.msk [tilespmem:v10+s12+$0x0], $0xffff;
	[tilespmem:s21+$0xFFFFFF80] =	vst v7;
	s21 =	smov.u32 s22;
	s22 =	smov.u32 s31  }
0x150: {  	[tilespmem:s28+$0xFFFFFF20] =	vst v5  }
0x151: {  	v5 =	vld [tilespmem:s26+$0xFFFFFF30];
	_ =	sdelay $0x6  }
0x152: {  	v6 =	vld.idx.msk [tilespmem:v6+s12+$0x0], $0xffff  }
0x153: {  	v5 =	vld.idx.msk [tilespmem:v5+s12+$0x0], $0xffff;
	_ =	sdelay $0x3  }
0x154: {  	[tilespmem:s28+$0xFFFFFFB0] =	vst v6  }
0x155: {  	v6 =	vld [tilespmem:s26+$0xFFFFFFC0];
	[tilespmem:s28+$0xFFFFFF30] =	vst v5  }
0x156: {  	v5 =	vld [tilespmem:s26+$0xFFFFFF40];
	_ =	sdelay $0x6  }
0x157: {  	v6 =	vld.idx.msk [tilespmem:v6+s12+$0x0], $0xffff  }
0x158: {  	v5 =	vld.idx.msk [tilespmem:v5+s12+$0x0], $0xffff;
	_ =	sdelay $0x2  }
0x159: {  	[tilespmem:s25+$0xFFFFFF40] =	vst v4  }
0x15a: {  	v59 =	vld [tilespmem:s24+$0xFFFFFF50];
	[tilespmem:s28+$0xFFFFFFC0] =	vst v6  }
0x15b: {  	v58 =	vld [tilespmem:s26+$0xFFFFFFD0];
	[tilespmem:s28+$0xFFFFFF40] =	vst v5  }
0x15c: {  	v5 =	vld [tilespmem:s26+$0xFFFFFF50];
	_ =	sdelay $0x4  }
0x15d: {  	v3 =	vld.idx.msk [tilespmem:v3+s12+$0x0], $0xffff  }
0x15e: {  	v6 =	vld.idx.msk [tilespmem:v59+s12+$0x0], $0xffff  }
0x15f: {  	v4 =	vld.idx.msk [tilespmem:v58+s12+$0x0], $0xffff  }
0x160: {  	v5 =	vld.idx.msk [tilespmem:v5+s12+$0x0], $0xffff;
	_ =	sdelay $0x1  }
0x161: {  	[tilespmem:s25+$0xFFFFFFD0] =	vst v3  }
0x162: {  	v3 =	vld [tilespmem:s24+$0xFFFFFFE0];
	[tilespmem:s25+$0xFFFFFF50] =	vst v6  }
0x163: {  	v6 =	vld [tilespmem:s24+$0xFFFFFF60];
	[tilespmem:s28+$0xFFFFFFD0] =	vst v4  }
0x164: {  	v4 =	vld [tilespmem:s26+$0xFFFFFFE0];
	[tilespmem:s28+$0xFFFFFF50] =	vst v5  }
0x165: {  	v5 =	vld [tilespmem:s26+$0xFFFFFF60];
	_ =	sdelay $0x4  }
0x166: {  	v3 =	vld.idx.msk [tilespmem:v3+s12+$0x0], $0xffff  }
0x167: {  	v6 =	vld.idx.msk [tilespmem:v6+s12+$0x0], $0xffff  }
0x168: {  	v4 =	vld.idx.msk [tilespmem:v4+s12+$0x0], $0xffff  }
0x169: {  	v5 =	vld.idx.msk [tilespmem:v5+s12+$0x0], $0xffff  }
0x16a: {  	[tilespmem:s22+$0xFFFFFF60] =	vst v2  }
0x16b: {  	v61 =	vld [tilespmem:s23+$0xFFFFFF70];
	[tilespmem:s25+$0xFFFFFFE0] =	vst v3  }
0x16c: {  	v60 =	vld [tilespmem:s24+$0xFFFFFFF0];
	[tilespmem:s25+$0xFFFFFF60] =	vst v6  }
0x16d: {  	v6 =	vld [tilespmem:s24+$0xFFFFFF70];
	[tilespmem:s28+$0xFFFFFFE0] =	vst v4  }
0x16e: {  	v4 =	vld [tilespmem:s26+$0xFFFFFFF0];
	[tilespmem:s28+$0xFFFFFF60] =	vst v5  }
0x16f: {  	v5 =	vld [tilespmem:s26+$0xFFFFFF70];
	_ =	sdelay $0x2  }
0x170: {  	v1 =	vld.idx.msk [tilespmem:v1+s12+$0x0], $0xffff  }
0x171: {  	v3 =	vld.idx.msk [tilespmem:v61+s12+$0x0], $0xffff  }
0x172: {  	v2 =	vld.idx.msk [tilespmem:v60+s12+$0x0], $0xffff  }
0x173: {  	v6 =	vld.idx.msk [tilespmem:v6+s12+$0x0], $0xffff  }
0x174: {  	v4 =	vld.idx.msk [tilespmem:v4+s12+$0x0], $0xffff  }
0x175: {  	[tilespmem:s22+$0xFFFFFFF0] =	vst v1;
	v5 =	vld.idx.msk [tilespmem:v5+s12+$0x0], $0xffff  }
0x176: {  	v1 =	vld [tilespmem:s23+$0x0];
	[tilespmem:s22+$0xFFFFFF70] =	vst v3  }
0x177: {  	v3 =	vld [tilespmem:s23+$0xFFFFFF80];
	[tilespmem:s25+$0xFFFFFFF0] =	vst v2  }
0x178: {  	v2 =	vld [tilespmem:s24+$0x0];
	[tilespmem:s25+$0xFFFFFF70] =	vst v6  }
0x179: {  	v6 =	vld [tilespmem:s24+$0xFFFFFF80];
	[tilespmem:s28+$0xFFFFFFF0] =	vst v4  }
0x17a: {  	v4 =	vld [tilespmem:s26+$0x0];
	[tilespmem:s28+$0xFFFFFF70] =	vst v5  }
0x17b: {  	v5 =	vld [tilespmem:s26+$0xFFFFFF80];
	_ =	sdelay $0x1  }
0x17c: {  	v0 =	vld.idx.msk [tilespmem:v0+s12+$0x0], $0xffff  }
0x17d: {  	v1 =	vld.idx.msk [tilespmem:v1+s12+$0x0], $0xffff  }
0x17e: {  	v3 =	vld.idx.msk [tilespmem:v3+s12+$0x0], $0xffff  }
0x17f: {  	v2 =	vld.idx.msk [tilespmem:v2+s12+$0x0], $0xffff  }
0x180: {  	v62 =	vld.idx.msk [tilespmem:v6+s12+$0x0], $0xffff  }
0x181: {  	[tilespmem:s21+$0xFFFFFF80] =	vst v0;
	v4 =	vld.idx.msk [tilespmem:v4+s12+$0x0], $0xffff  }
0x182: {  	[tilespmem:s22+$0x0] =	vst v1;
	v63 =	vld.idx.msk [tilespmem:v5+s12+$0x0], $0xffff  }
0x183: {  	[tilespmem:s22+$0xFFFFFF80] =	vst v3  }
0x184: {  	[tilespmem:s25+$0x0] =	vst v2  }
0x185: {  	[tilespmem:s25+$0xFFFFFF80] =	vst v62  }
0x186: {  	[tilespmem:s28+$0x0] =	vst v4  }
0x187: {  	s20 =	sadd.s32 $0x1, s20;
	[tilespmem:s28+$0xFFFFFF80] =	vst v63  }
0x188: {  	[hbm4b:s7+s9] =	stream.strided.scatter [tilespmem:s17], [sflag:$0x4], $0x3400, s10, s9, $0x38;
	[tilespmem:$0xC900] =	vst v63  }
0x189: {  	p0 =	sne.s32 s20, s8;
	_ =	swait.ge [sflag:s18], $0x3000  }
.Ltmp2:
0x18a: {  	[sflag:s18] =	ssyncset.done $0x0;
	(pc) =	sbr.rel @p0 .LBB2_1-.Ltmp2, $4  }
0x18b: {  	[sflag:s18] =	ssyncadd.s32 $0xFFFFD000  }
0x18c: {  	_ =	swait.ge [sflag:s19], $0x3400  }
0x18d: {  	[sflag:s19] =	ssyncset.done $0x0  }
0x18e: {  	[sflag:s19] =	ssyncadd.s32 $0xFFFFCC00  }
0x18f: {  	_ =	sfence.sel $0x180000  }
0x190: {  	[bflag:$0x0] =	sbarrier.arrive $0xFFFF  }
0x191: {  	p0 =	sne.s32 s1, $0x0;
	_ =	strace $0x90000047  }
0x192: {  	s0 =	sadd.s32 @!p0 $0x100000, s0;
	[bflag:$0x2] =	sbarrier.arrive $0xFFFF  }
0x193: {  	[sflag:s0] =	ssyncadd.tile.s32 @!p0 $0x1;
	_ =	shalt  }
.Lfunc_end2:
_tile_overlayer_lowered:
.L_overlay_start_2:
0x194: {  	(tag) =	ssettag $0x2  }
0x195: {  	s0 =	rddreg [dreg:$0x0];
	s2 =	stileid.u32  }
0x196: {  	s1 =	rddreg [dreg:$0x1];
	p0 =	sne.s32 s2, $0x0  }
0x197: {  	s3 =	rddreg [dreg:$0x2];
	[bflag:$0x3] =	sbarrier.arrive $0xFFFF;
	s2 =	simm.s32 @!p0 $0x1C05  }
0x198: {  	[timem:s3], [sflag:s2] =	dma.local @!p0 [hbm:s0], s1  }
0x199: {  	s0 =	simm.s32 @!p0 $0x5  }
0x19a: {  	_ =	swait.ge @!p0 [sflag:s0], s1  }
0x19b: {  	s1 =	ssub.s32 @!p0 $0x0, s1;
	[sflag:s0] =	ssyncset.done @!p0 $0x0  }
0x19c: {  	[sflag:s0] =	ssyncadd.s32 @!p0 s1  }
0x19d: {  	[bflag:$0x3] =	sbarrier.arrive $0xFFFF  }
0x19e: {  	_ =	shalt  }

</sc_bundles>
